<compile_context>
chip_gen: v7x
topology: tpu7x:2x2x1
jax: 0.10.2.dev20260603
libtpu: 0.0.44.dev20260713+nightly
codegen_flags: <defaults>
</compile_context>

<pallas_src>
import jax
import jax.numpy as jnp
from jax import lax
from jax.experimental import pallas as pl
from jax.experimental.pallas import tpu as pltpu
from jax.experimental.pallas import tpu_sc as plsc

N_ATOMS = 320000
N_IN = 128
N_HIDDEN = 64
N_OUT = 3
NUM_MOL = 2048

_NW = 32
_CHUNK = N_ATOMS // _NW
_ACC = NUM_MOL * N_OUT


_MLP_BLOCK = 32000


def _mlp_body(x_ref, w1_ref, b1_ref, w2t_ref, b2_ref, yt_ref):
    x = x_ref[...]
    h = jnp.dot(x, w1_ref[...], preferred_element_type=jnp.float32)
    h = h + b1_ref[...]
    h = h * (0.5 * jnp.tanh(0.5 * h) + 0.5)
    yt = lax.dot_general(
        w2t_ref[...], h, (((1,), (1,)), ((), ())),
        preferred_element_type=jnp.float32,
    )
    yt_ref[...] = yt + b2_ref[...]


def _run_mlp(x, w1, b1, w2t, b2):
    grid = N_ATOMS // _MLP_BLOCK
    return pl.pallas_call(
        _mlp_body,
        grid=(grid,),
        in_specs=[
            pl.BlockSpec((_MLP_BLOCK, N_IN), lambda i: (i, 0)),
            pl.BlockSpec((N_IN, N_HIDDEN), lambda i: (0, 0)),
            pl.BlockSpec((1, N_HIDDEN), lambda i: (0, 0)),
            pl.BlockSpec((N_OUT, N_HIDDEN), lambda i: (0, 0)),
            pl.BlockSpec((N_OUT, 1), lambda i: (0, 0)),
        ],
        out_specs=pl.BlockSpec((N_OUT, _MLP_BLOCK), lambda i: (0, i)),
        out_shape=jax.ShapeDtypeStruct((N_OUT, N_ATOMS), jnp.float32),
    )(x, w1, b1, w2t, b2)




def _sc_scatter_body(y_hbm, idx_hbm, out_hbm, y_v, idx_v, acc_v, sems):
    cid = lax.axis_index("c")
    sid = lax.axis_index("s")
    wid = sid * 2 + cid
    base = wid * _CHUNK

    cp_idx = pltpu.async_copy(
        idx_hbm.at[pl.ds(base, _CHUNK)], idx_v.at[pl.ds(0, _CHUNK)], sems[0]
    )
    cp_y = []
    for c in range(N_OUT):
        cp_y.append(
            pltpu.async_copy(
                y_hbm.at[pl.ds(c * N_ATOMS + base, _CHUNK)],
                y_v.at[pl.ds(c * _CHUNK, _CHUNK)],
                sems[1 + c],
            )
        )

    zeros = jnp.zeros((16,), jnp.float32)

    def zero_body(j, _):
        acc_v[pl.ds(j * 16, 16)] = zeros
        return 0

    lax.fori_loop(0, _ACC // 16, zero_body, 0, unroll=8)

    cp_idx.wait()
    for cp in cp_y:
        cp.wait()

    iota = lax.iota(jnp.int32, 16)
    last_lane = iota == 15
    not_last = iota != 15

    def body(i, _):
        b = i * 16
        idx16 = idx_v[pl.ds(b, 16)]
        tgt = idx16 * N_OUT
        s3 = []
        for c in range(N_OUT):
            yv = y_v[pl.ds(c * _CHUNK + b, 16)]
            s3.append(plsc.cumsum(yv))
        uniform = idx16[0] == idx16[15]

        @pl.when(uniform)
        def _():
            for c in range(N_OUT):
                plsc.addupdate_scatter(acc_v, [tgt + c], s3[c], mask=last_lane)

        @pl.when(jnp.logical_not(uniform))
        def _():
            idxp1 = idx_v[pl.ds(b + 1, 16)]
            neq = idx16 != idxp1
            m_add = neq | last_lane
            m_sub = neq & not_last
            tgtp1 = idxp1 * N_OUT
            for c in range(N_OUT):
                plsc.addupdate_scatter(acc_v, [tgt + c], s3[c], mask=m_add)
                plsc.addupdate_scatter(acc_v, [tgtp1 + c], -s3[c], mask=m_sub)

        return 0

    lax.fori_loop(0, _CHUNK // 16, body, 0, unroll=4)

    pltpu.sync_copy(acc_v, out_hbm.at[wid])


def _run_sc_scatter(y_flat, idx):
    mesh = plsc.VectorSubcoreMesh(core_axis_name="c", subcore_axis_name="s")
    fn = pl.kernel(
        _sc_scatter_body,
        out_type=jax.ShapeDtypeStruct((_NW, _ACC), jnp.float32),
        mesh=mesh,
        scratch_types=[
            pltpu.VMEM((_CHUNK * N_OUT,), jnp.float32),
            pltpu.VMEM((_CHUNK + 16,), jnp.int32),
            pltpu.VMEM((_ACC,), jnp.float32),
            [pltpu.SemaphoreType.DMA] * 4,
        ],
        compiler_params=pltpu.CompilerParams(needs_layout_passes=False),
    )
    return fn(y_flat, idx)




def _reduce_body(p_ref, o_ref):
    o_ref[...] = jnp.sum(p_ref[...], axis=0, keepdims=True)


def _run_reduce(partials):
    return pl.pallas_call(
        _reduce_body,
        out_shape=jax.ShapeDtypeStruct((1, _ACC), jnp.float32),
    )(partials)




def kernel(scalar_representation, idx_m, W1, b1, W2, b2):
    y = _run_mlp(
        scalar_representation,
        W1,
        b1.reshape(1, N_HIDDEN),
        W2.T,
        b2.reshape(N_OUT, 1),
    )
    partials = _run_sc_scatter(y.reshape(-1), idx_m.astype(jnp.int32))
    out = _run_reduce(partials)
    return out.reshape(NUM_MOL, N_OUT)

# --- scband reference (transcript-rebuilt; emitter-appended) ---
"""Pipeline reference for scband-atomwise-4621384810804 (READ-ONLY COPY).

The authoritative reference and input builder live on the scoring server;
editing this copy changes nothing except your own understanding.
"""

import jax, jax.numpy as jnp
import numpy as np

N_ATOMS = 320000
N_IN = 128
N_HIDDEN = 64  # pyramidal: n_in -> n_in//2 -> n_out with n_layers=2
N_OUT = 3
NUM_MOL = 2048


def setup_inputs(seed: int = 0) -> dict:
    key = jax.random.key(seed)
    ks = jax.random.split(key, 5)
    x = jax.random.normal(ks[0], (N_ATOMS, N_IN), dtype=jnp.float32)
    idx_m = jnp.sort(jax.random.randint(ks[1], (N_ATOMS,), 0, NUM_MOL))
    W1 = jax.random.normal(ks[2], (N_IN, N_HIDDEN), dtype=jnp.float32) / np.sqrt(N_IN)
    b1 = jnp.zeros((N_HIDDEN,), dtype=jnp.float32)
    W2 = jax.random.normal(ks[3], (N_HIDDEN, N_OUT), dtype=jnp.float32) / np.sqrt(N_HIDDEN)
    b2 = jnp.zeros((N_OUT,), dtype=jnp.float32)
    return {
        "scalar_representation": x,
        "idx_m": idx_m,
        "W1": W1,
        "b1": b1,
        "W2": W2,
        "b2": b2,
    }


def reference(scalar_representation, idx_m, W1, b1, W2, b2):
    # outnet: pyramidal MLP  128 -> 64 (silu) -> 3
    h = jax.nn.silu(scalar_representation @ W1 + b1)
    y = h @ W2 + b2
    # aggregation_mode == 'sum': scatter_add per molecule
    y = jax.ops.segment_sum(y, idx_m, num_segments=NUM_MOL)
    # torch.squeeze(y, -1) only squeezes if last dim == 1 (n_out=3 -> no-op)
    if y.shape[-1] == 1:
        y = jnp.squeeze(y, -1)
    return y

if __name__ == "__main__":
    import jax
    _d = setup_inputs()
    print(jax.jit(kernel)(*tuple(_d.values())))

</pallas_src>

<mosaic_0001>
#map = affine_map<(d0, d1) -> (0)>
#map1 = affine_map<(d0, d1) -> (0, 0)>
module attributes {stable_mosaic.version = 14 : i64} {
  func.func @_sc_scatter_body(%arg0: i32, %arg1: i32, %arg2: memref<960000xf32, #tpu.memory_space<hbm>>, %arg3: memref<320000xi32, #tpu.memory_space<hbm>>, %arg4: memref<32x6144xf32, #tpu.memory_space<hbm>>, %arg5: memref<30000xf32, #tpu.memory_space<vmem>>, %arg6: memref<10016xi32, #tpu.memory_space<vmem>>, %arg7: memref<6144xf32, #tpu.memory_space<vmem>>, %arg8: memref<!tpu.dma_semaphore, #tpu.memory_space<semaphore_mem>>, %arg9: memref<!tpu.dma_semaphore, #tpu.memory_space<semaphore_mem>>, %arg10: memref<!tpu.dma_semaphore, #tpu.memory_space<semaphore_mem>>, %arg11: memref<!tpu.dma_semaphore, #tpu.memory_space<semaphore_mem>>) attributes {dimension_semantics = [#tpu.dimension_semantics<core_parallel>, #tpu.dimension_semantics<subcore_parallel>], iteration_bounds = array<i64: 2, 16>, scalar_prefetch = 0 : i64, scratch_operands = 7 : i64, tpu.core_type = #tpu.core_type<sc_vector_subcore>, window_params = [{transform_indices = #map}, {transform_indices = #map}, {transform_indices = #map1}]} {
    %mul3A = arith.constant 2 : i32
    %mul3A_0 = arith.muli %arg1, %mul3A : i32
    %add3A = arith.addi %mul3A_0, %arg0 : i32
    %mul3A_1 = arith.constant 10000 : i32
    %mul3A_2 = arith.muli %add3A, %mul3A_1 : i32
    %dma_start3A = arith.constant 0 : i32
    %dma_start3A_3 = tpu.memref_slice %arg6[%dma_start3A] : memref<10016xi32, #tpu.memory_space<vmem>> -> memref<10000xi32, #tpu.memory_space<vmem>>
    %dma_start3A_4 = tpu.memref_slice %arg3[%mul3A_2] : memref<320000xi32, #tpu.memory_space<hbm>> -> memref<10000xi32, #tpu.memory_space<hbm>>
    %dma_start3A_5 = arith.constant 0 : i32
    %dma_start3A_6 = tpu.memref_slice %arg6[%dma_start3A_5] : memref<10016xi32, #tpu.memory_space<vmem>> -> memref<10000xi32, #tpu.memory_space<vmem>>
    %dma_start3A_7 = tpu.memref_slice %arg3[%mul3A_2] : memref<320000xi32, #tpu.memory_space<hbm>> -> memref<10000xi32, #tpu.memory_space<hbm>>
    tpu.enqueue_dma source(%dma_start3A_7 : memref<10000xi32, #tpu.memory_space<hbm>>) target(%dma_start3A_6 : memref<10000xi32, #tpu.memory_space<vmem>>) target_semaphore(%arg8 : memref<!tpu.dma_semaphore, #tpu.memory_space<semaphore_mem>>)
    %add3A_8 = arith.constant 0 : i32
    %add3A_9 = arith.addi %add3A_8, %mul3A_2 : i32
    %dma_start3A_10 = arith.constant 0 : i32
    %dma_start3A_11 = tpu.memref_slice %arg5[%dma_start3A_10] : memref<30000xf32, #tpu.memory_space<vmem>> -> memref<10000xf32, #tpu.memory_space<vmem>>
    %dma_start3A_12 = tpu.memref_slice %arg2[%add3A_9] : memref<960000xf32, #tpu.memory_space<hbm>> -> memref<10000xf32, #tpu.memory_space<hbm>>
    %dma_start3A_13 = arith.constant 0 : i32
    %dma_start3A_14 = tpu.memref_slice %arg5[%dma_start3A_13] : memref<30000xf32, #tpu.memory_space<vmem>> -> memref<10000xf32, #tpu.memory_space<vmem>>
    %dma_start3A_15 = tpu.memref_slice %arg2[%add3A_9] : memref<960000xf32, #tpu.memory_space<hbm>> -> memref<10000xf32, #tpu.memory_space<hbm>>
    tpu.enqueue_dma source(%dma_start3A_15 : memref<10000xf32, #tpu.memory_space<hbm>>) target(%dma_start3A_14 : memref<10000xf32, #tpu.memory_space<vmem>>) target_semaphore(%arg9 : memref<!tpu.dma_semaphore, #tpu.memory_space<semaphore_mem>>)
    %add3A_16 = arith.constant 320000 : i32
    %add3A_17 = arith.addi %add3A_16, %mul3A_2 : i32
    %dma_start3A_18 = arith.constant 10000 : i32
    %dma_start3A_19 = tpu.memref_slice %arg5[%dma_start3A_18] : memref<30000xf32, #tpu.memory_space<vmem>> -> memref<10000xf32, #tpu.memory_space<vmem>>
    %dma_start3A_20 = tpu.memref_slice %arg2[%add3A_17] : memref<960000xf32, #tpu.memory_space<hbm>> -> memref<10000xf32, #tpu.memory_space<hbm>>
    %dma_start3A_21 = arith.constant 10000 : i32
    %dma_start3A_22 = tpu.memref_slice %arg5[%dma_start3A_21] : memref<30000xf32, #tpu.memory_space<vmem>> -> memref<10000xf32, #tpu.memory_space<vmem>>
    %dma_start3A_23 = tpu.memref_slice %arg2[%add3A_17] : memref<960000xf32, #tpu.memory_space<hbm>> -> memref<10000xf32, #tpu.memory_space<hbm>>
    tpu.enqueue_dma source(%dma_start3A_23 : memref<10000xf32, #tpu.memory_space<hbm>>) target(%dma_start3A_22 : memref<10000xf32, #tpu.memory_space<vmem>>) target_semaphore(%arg10 : memref<!tpu.dma_semaphore, #tpu.memory_space<semaphore_mem>>)
    %add3A_24 = arith.constant 640000 : i32
    %add3A_25 = arith.addi %add3A_24, %mul3A_2 : i32
    %dma_start3A_26 = arith.constant 20000 : i32
    %dma_start3A_27 = tpu.memref_slice %arg5[%dma_start3A_26] : memref<30000xf32, #tpu.memory_space<vmem>> -> memref<10000xf32, #tpu.memory_space<vmem>>
    %dma_start3A_28 = tpu.memref_slice %arg2[%add3A_25] : memref<960000xf32, #tpu.memory_space<hbm>> -> memref<10000xf32, #tpu.memory_space<hbm>>
    %dma_start3A_29 = arith.constant 20000 : i32
    %dma_start3A_30 = tpu.memref_slice %arg5[%dma_start3A_29] : memref<30000xf32, #tpu.memory_space<vmem>> -> memref<10000xf32, #tpu.memory_space<vmem>>
    %dma_start3A_31 = tpu.memref_slice %arg2[%add3A_25] : memref<960000xf32, #tpu.memory_space<hbm>> -> memref<10000xf32, #tpu.memory_space<hbm>>
    tpu.enqueue_dma source(%dma_start3A_31 : memref<10000xf32, #tpu.memory_space<hbm>>) target(%dma_start3A_30 : memref<10000xf32, #tpu.memory_space<vmem>>) target_semaphore(%arg11 : memref<!tpu.dma_semaphore, #tpu.memory_space<semaphore_mem>>)
    %broadcast_in_dim3A = arith.constant 0.000000e+00 : f32
    %broadcast_in_dim3A_32 = vector.broadcast %broadcast_in_dim3A : f32 to vector<16xf32>
    %scan3A = arith.constant 0 : i32
    %scan3A_33 = arith.constant 0 : i32
    %scan3A_34 = arith.constant 384 : i32
    %scan3A_35 = arith.addi %scan3A_33, %scan3A_34 : i32
    %scan3A_36 = arith.constant 8 : i32
    %scan3A_37 = scf.for %scan3A_110 = %scan3A_33 to %scan3A_35 step %scan3A_36 iter_args(%scan3A_111 = %scan3A) -> (i32)  : i32 {
      %mul3A_112 = arith.constant 16 : i32
      %mul3A_113 = arith.muli %scan3A_110, %mul3A_112 : i32
      %swap3A = arith.index_cast %mul3A_113 : i32 to index
      %swap3A_114 = tpu.vector_load %arg7[%swap3A] {strides = array<i32>} : memref<6144xf32, #tpu.memory_space<vmem>>, vector<16xf32>,
      tpu.vector_store %arg7[%swap3A], %broadcast_in_dim3A_32 {strides = array<i32>} : memref<6144xf32, #tpu.memory_space<vmem>>, vector<16xf32>,
      %scan3A_115 = arith.constant 0 : i32
      %scan3A_116 = arith.constant 1 : i32
      %scan3A_117 = arith.addi %scan3A_110, %scan3A_116 : i32
      %mul3A_118 = arith.constant 16 : i32
      %mul3A_119 = arith.muli %scan3A_117, %mul3A_118 : i32
      %swap3A_120 = arith.index_cast %mul3A_119 : i32 to index
      %swap3A_121 = tpu.vector_load %arg7[%swap3A_120] {strides = array<i32>} : memref<6144xf32, #tpu.memory_space<vmem>>, vector<16xf32>,
      tpu.vector_store %arg7[%swap3A_120], %broadcast_in_dim3A_32 {strides = array<i32>} : memref<6144xf32, #tpu.memory_space<vmem>>, vector<16xf32>,
      %scan3A_122 = arith.constant 0 : i32
      %scan3A_123 = arith.constant 2 : i32
      %scan3A_124 = arith.addi %scan3A_110, %scan3A_123 : i32
      %mul3A_125 = arith.constant 16 : i32
      %mul3A_126 = arith.muli %scan3A_124, %mul3A_125 : i32
      %swap3A_127 = arith.index_cast %mul3A_126 : i32 to index
      %swap3A_128 = tpu.vector_load %arg7[%swap3A_127] {strides = array<i32>} : memref<6144xf32, #tpu.memory_space<vmem>>, vector<16xf32>,
      tpu.vector_store %arg7[%swap3A_127], %broadcast_in_dim3A_32 {strides = array<i32>} : memref<6144xf32, #tpu.memory_space<vmem>>, vector<16xf32>,
      %scan3A_129 = arith.constant 0 : i32
      %scan3A_130 = arith.constant 3 : i32
      %scan3A_131 = arith.addi %scan3A_110, %scan3A_130 : i32
      %mul3A_132 = arith.constant 16 : i32
      %mul3A_133 = arith.muli %scan3A_131, %mul3A_132 : i32
      %swap3A_134 = arith.index_cast %mul3A_133 : i32 to index
      %swap3A_135 = tpu.vector_load %arg7[%swap3A_134] {strides = array<i32>} : memref<6144xf32, #tpu.memory_space<vmem>>, vector<16xf32>,
      tpu.vector_store %arg7[%swap3A_134], %broadcast_in_dim3A_32 {strides = array<i32>} : memref<6144xf32, #tpu.memory_space<vmem>>, vector<16xf32>,
      %scan3A_136 = arith.constant 0 : i32
      %scan3A_137 = arith.constant 4 : i32
      %scan3A_138 = arith.addi %scan3A_110, %scan3A_137 : i32
      %mul3A_139 = arith.constant 16 : i32
      %mul3A_140 = arith.muli %scan3A_138, %mul3A_139 : i32
      %swap3A_141 = arith.index_cast %mul3A_140 : i32 to index
      %swap3A_142 = tpu.vector_load %arg7[%swap3A_141] {strides = array<i32>} : memref<6144xf32, #tpu.memory_space<vmem>>, vector<16xf32>,
      tpu.vector_store %arg7[%swap3A_141], %broadcast_in_dim3A_32 {strides = array<i32>} : memref<6144xf32, #tpu.memory_space<vmem>>, vector<16xf32>,
      %scan3A_143 = arith.constant 0 : i32
      %scan3A_144 = arith.constant 5 : i32
      %scan3A_145 = arith.addi %scan3A_110, %scan3A_144 : i32
      %mul3A_146 = arith.constant 16 : i32
      %mul3A_147 = arith.muli %scan3A_145, %mul3A_146 : i32
      %swap3A_148 = arith.index_cast %mul3A_147 : i32 to index
      %swap3A_149 = tpu.vector_load %arg7[%swap3A_148] {strides = array<i32>} : memref<6144xf32, #tpu.memory_space<vmem>>, vector<16xf32>,
      tpu.vector_store %arg7[%swap3A_148], %broadcast_in_dim3A_32 {strides = array<i32>} : memref<6144xf32, #tpu.memory_space<vmem>>, vector<16xf32>,
      %scan3A_150 = arith.constant 0 : i32
      %scan3A_151 = arith.constant 6 : i32
      %scan3A_152 = arith.addi %scan3A_110, %scan3A_151 : i32
      %mul3A_153 = arith.constant 16 : i32
      %mul3A_154 = arith.muli %scan3A_152, %mul3A_153 : i32
      %swap3A_155 = arith.index_cast %mul3A_154 : i32 to index
      %swap3A_156 = tpu.vector_load %arg7[%swap3A_155] {strides = array<i32>} : memref<6144xf32, #tpu.memory_space<vmem>>, vector<16xf32>,
      tpu.vector_store %arg7[%swap3A_155], %broadcast_in_dim3A_32 {strides = array<i32>} : memref<6144xf32, #tpu.memory_space<vmem>>, vector<16xf32>,
      %scan3A_157 = arith.constant 0 : i32
      %scan3A_158 = arith.constant 7 : i32
      %scan3A_159 = arith.addi %scan3A_110, %scan3A_158 : i32
      %mul3A_160 = arith.constant 16 : i32
      %mul3A_161 = arith.muli %scan3A_159, %mul3A_160 : i32
      %swap3A_162 = arith.index_cast %mul3A_161 : i32 to index
      %swap3A_163 = tpu.vector_load %arg7[%swap3A_162] {strides = array<i32>} : memref<6144xf32, #tpu.memory_space<vmem>>, vector<16xf32>,
      tpu.vector_store %arg7[%swap3A_162], %broadcast_in_dim3A_32 {strides = array<i32>} : memref<6144xf32, #tpu.memory_space<vmem>>, vector<16xf32>,
      %scan3A_164 = arith.constant 0 : i32
      scf.yield %scan3A_164 : i32
    }
    %scan3A_38 = arith.constant 384 : i32
    %dma_wait3A = arith.constant 0 : i32
    %dma_wait3A_39 = tpu.memref_slice %arg6[%dma_wait3A] : memref<10016xi32, #tpu.memory_space<vmem>> -> memref<10000xi32, #tpu.memory_space<vmem>>
    %dma_wait3A_40 = tpu.memref_slice %arg3[%mul3A_2] : memref<320000xi32, #tpu.memory_space<hbm>> -> memref<10000xi32, #tpu.memory_space<hbm>>
    %dma_wait3A_41 = arith.constant 0 : i32
    %dma_wait3A_42 = tpu.memref_slice %arg6[%dma_wait3A_41] : memref<10016xi32, #tpu.memory_space<vmem>> -> memref<10000xi32, #tpu.memory_space<vmem>>
    %dma_wait3A_43 = tpu.memref_slice %arg3[%mul3A_2] : memref<320000xi32, #tpu.memory_space<hbm>> -> memref<10000xi32, #tpu.memory_space<hbm>>
    tpu.wait_dma2 semaphore(%arg8 : memref<!tpu.dma_semaphore, #tpu.memory_space<semaphore_mem>>) src(%dma_wait3A_43 : memref<10000xi32, #tpu.memory_space<hbm>>) dst(%dma_wait3A_42 : memref<10000xi32, #tpu.memory_space<vmem>>)
    %dma_wait3A_44 = arith.constant 0 : i32
    %dma_wait3A_45 = tpu.memref_slice %arg5[%dma_wait3A_44] : memref<30000xf32, #tpu.memory_space<vmem>> -> memref<10000xf32, #tpu.memory_space<vmem>>
    %dma_wait3A_46 = tpu.memref_slice %arg2[%add3A_9] : memref<960000xf32, #tpu.memory_space<hbm>> -> memref<10000xf32, #tpu.memory_space<hbm>>
    %dma_wait3A_47 = arith.constant 0 : i32
    %dma_wait3A_48 = tpu.memref_slice %arg5[%dma_wait3A_47] : memref<30000xf32, #tpu.memory_space<vmem>> -> memref<10000xf32, #tpu.memory_space<vmem>>
    %dma_wait3A_49 = tpu.memref_slice %arg2[%add3A_9] : memref<960000xf32, #tpu.memory_space<hbm>> -> memref<10000xf32, #tpu.memory_space<hbm>>
    tpu.wait_dma2 semaphore(%arg9 : memref<!tpu.dma_semaphore, #tpu.memory_space<semaphore_mem>>) src(%dma_wait3A_49 : memref<10000xf32, #tpu.memory_space<hbm>>) dst(%dma_wait3A_48 : memref<10000xf32, #tpu.memory_space<vmem>>)
    %dma_wait3A_50 = arith.constant 10000 : i32
    %dma_wait3A_51 = tpu.memref_slice %arg5[%dma_wait3A_50] : memref<30000xf32, #tpu.memory_space<vmem>> -> memref<10000xf32, #tpu.memory_space<vmem>>
    %dma_wait3A_52 = tpu.memref_slice %arg2[%add3A_17] : memref<960000xf32, #tpu.memory_space<hbm>> -> memref<10000xf32, #tpu.memory_space<hbm>>
    %dma_wait3A_53 = arith.constant 10000 : i32
    %dma_wait3A_54 = tpu.memref_slice %arg5[%dma_wait3A_53] : memref<30000xf32, #tpu.memory_space<vmem>> -> memref<10000xf32, #tpu.memory_space<vmem>>
    %dma_wait3A_55 = tpu.memref_slice %arg2[%add3A_17] : memref<960000xf32, #tpu.memory_space<hbm>> -> memref<10000xf32, #tpu.memory_space<hbm>>
    tpu.wait_dma2 semaphore(%arg10 : memref<!tpu.dma_semaphore, #tpu.memory_space<semaphore_mem>>) src(%dma_wait3A_55 : memref<10000xf32, #tpu.memory_space<hbm>>) dst(%dma_wait3A_54 : memref<10000xf32, #tpu.memory_space<vmem>>)
    %dma_wait3A_56 = arith.constant 20000 : i32
    %dma_wait3A_57 = tpu.memref_slice %arg5[%dma_wait3A_56] : memref<30000xf32, #tpu.memory_space<vmem>> -> memref<10000xf32, #tpu.memory_space<vmem>>
    %dma_wait3A_58 = tpu.memref_slice %arg2[%add3A_25] : memref<960000xf32, #tpu.memory_space<hbm>> -> memref<10000xf32, #tpu.memory_space<hbm>>
    %dma_wait3A_59 = arith.constant 20000 : i32
    %dma_wait3A_60 = tpu.memref_slice %arg5[%dma_wait3A_59] : memref<30000xf32, #tpu.memory_space<vmem>> -> memref<10000xf32, #tpu.memory_space<vmem>>
    %dma_wait3A_61 = tpu.memref_slice %arg2[%add3A_25] : memref<960000xf32, #tpu.memory_space<hbm>> -> memref<10000xf32, #tpu.memory_space<hbm>>
    tpu.wait_dma2 semaphore(%arg11 : memref<!tpu.dma_semaphore, #tpu.memory_space<semaphore_mem>>) src(%dma_wait3A_61 : memref<10000xf32, #tpu.memory_space<hbm>>) dst(%dma_wait3A_60 : memref<10000xf32, #tpu.memory_space<vmem>>)
    %iota3A = tpu.iota {dimensions = array<i32: 0>} : vector<16xi32>
    %eq3A = arith.constant 15 : i32
    %eq3A_62 = vector.broadcast %eq3A : i32 to vector<16xi32>
    %eq3A_63 = arith.cmpi eq, %iota3A, %eq3A_62 : vector<16xi32>
    %ne3A = arith.constant 15 : i32
    %ne3A_64 = vector.broadcast %ne3A : i32 to vector<16xi32>
    %ne3A_65 = arith.cmpi ne, %iota3A, %ne3A_64 : vector<16xi32>
    %scan3A_66 = arith.constant 0 : i32
    %scan3A_67 = arith.constant 0 : i32
    %scan3A_68 = arith.constant 624 : i32
    %scan3A_69 = arith.addi %scan3A_67, %scan3A_68 : i32
    %scan3A_70 = arith.constant 4 : i32
    %scan3A_71 = scf.for %scan3A_110 = %scan3A_67 to %scan3A_69 step %scan3A_70 iter_args(%scan3A_111 = %scan3A_66) -> (i32)  : i32 {
      %mul3A_112 = arith.constant 16 : i32
      %mul3A_113 = arith.muli %scan3A_110, %mul3A_112 : i32
      %get3A_114 = arith.index_cast %mul3A_113 : i32 to index
      %get3A_115 = tpu.vector_load %arg6[%get3A_114] {strides = array<i32>} : memref<10016xi32, #tpu.memory_space<vmem>>, vector<16xi32>,
      %mul3A_116 = arith.constant 3 : i32
      %mul3A_117 = vector.broadcast %mul3A_116 : i32 to vector<16xi32>
      %mul3A_118 = arith.muli %get3A_115, %mul3A_117 : vector<16xi32>
      %add3A_119 = arith.constant 0 : i32
      %add3A_120 = arith.addi %add3A_119, %mul3A_113 : i32
      %get3A_121 = arith.index_cast %add3A_120 : i32 to index
      %get3A_122 = tpu.vector_load %arg5[%get3A_121] {strides = array<i32>} : memref<30000xf32, #tpu.memory_space<vmem>>, vector<16xf32>,
      %broadcast_in_dim3A_123 = arith.constant true
      %broadcast_in_dim3A_124 = vector.broadcast %broadcast_in_dim3A_123 : i1 to vector<16xi1>
      %masked_cumsum3A_125 = tpu.scan <sum>, %get3A_122 masked %broadcast_in_dim3A_124 : vector<16xf32>, vector<16xi1> -> vector<16xf32>
      %add3A_126 = arith.constant 10000 : i32
      %add3A_127 = arith.addi %add3A_126, %mul3A_113 : i32
      %get3A_128 = arith.index_cast %add3A_127 : i32 to index
      %get3A_129 = tpu.vector_load %arg5[%get3A_128] {strides = array<i32>} : memref<30000xf32, #tpu.memory_space<vmem>>, vector<16xf32>,
      %broadcast_in_dim3A_130 = arith.constant true
      %broadcast_in_dim3A_131 = vector.broadcast %broadcast_in_dim3A_130 : i1 to vector<16xi1>
      %masked_cumsum3A_132 = tpu.scan <sum>, %get3A_129 masked %broadcast_in_dim3A_131 : vector<16xf32>, vector<16xi1> -> vector<16xf32>
      %add3A_133 = arith.constant 20000 : i32
      %add3A_134 = arith.addi %add3A_133, %mul3A_113 : i32
      %get3A_135 = arith.index_cast %add3A_134 : i32 to index
      %get3A_136 = tpu.vector_load %arg5[%get3A_135] {strides = array<i32>} : memref<30000xf32, #tpu.memory_space<vmem>>, vector<16xf32>,
      %broadcast_in_dim3A_137 = arith.constant true
      %broadcast_in_dim3A_138 = vector.broadcast %broadcast_in_dim3A_137 : i1 to vector<16xi1>
      %masked_cumsum3A_139 = tpu.scan <sum>, %get3A_136 masked %broadcast_in_dim3A_138 : vector<16xf32>, vector<16xi1> -> vector<16xf32>
      %slice3A_140 = vector.extract_strided_slice %get3A_115 {offsets = [0], sizes = [1], strides = [1]} : vector<16xi32> to vector<1xi32>
      %squeeze3A_141 = vector.extract %slice3A_140[0] : i32 from vector<1xi32>
      %slice3A_142 = vector.extract_strided_slice %get3A_115 {offsets = [15], sizes = [1], strides = [1]} : vector<16xi32> to vector<1xi32>
      %squeeze3A_143 = vector.extract %slice3A_142[0] : i32 from vector<1xi32>
      %eq3A_144 = arith.cmpi eq, %squeeze3A_141, %squeeze3A_143 : i32
      %convert_element_type3A_145 = arith.extui %eq3A_144 : i1 to i32
      %cond3A_146 = arith.constant 0 : i32
      %cond3A_147 = arith.cmpi ne, %convert_element_type3A_145, %cond3A_146 : i32
      scf.if %cond3A_147 {
        %add3A_286 = arith.constant 0 : i32
        %add3A_287 = vector.broadcast %add3A_286 : i32 to vector<16xi32>
        %add3A_288 = arith.addi %mul3A_118, %add3A_287 : vector<16xi32>
        tpu.vector_store_idx %arg7[%add3A_288], %masked_cumsum3A_125 masked %eq3A_63 {add = true} : memref<6144xf32, #tpu.memory_space<vmem>>[vector<16xi32>], vector<16xf32>, vector<16xi1>
        %add3A_289 = arith.constant 1 : i32
        %add3A_290 = vector.broadcast %add3A_289 : i32 to vector<16xi32>
        %add3A_291 = arith.addi %mul3A_118, %add3A_290 : vector<16xi32>
        tpu.vector_store_idx %arg7[%add3A_291], %masked_cumsum3A_132 masked %eq3A_63 {add = true} : memref<6144xf32, #tpu.memory_space<vmem>>[vector<16xi32>], vector<16xf32>, vector<16xi1>
        %add3A_292 = arith.constant 2 : i32
        %add3A_293 = vector.broadcast %add3A_292 : i32 to vector<16xi32>
        %add3A_294 = arith.addi %mul3A_118, %add3A_293 : vector<16xi32>
        tpu.vector_store_idx %arg7[%add3A_294], %masked_cumsum3A_139 masked %eq3A_63 {add = true} : memref<6144xf32, #tpu.memory_space<vmem>>[vector<16xi32>], vector<16xf32>, vector<16xi1>
      } else {
      }
      %not3A_148 = arith.constant true
      %not3A_149 = arith.xori %eq3A_144, %not3A_148 : i1
      %convert_element_type3A_150 = arith.extui %not3A_149 : i1 to i32
      %cond3A_151 = arith.constant 0 : i32
      %cond3A_152 = arith.cmpi ne, %convert_element_type3A_150, %cond3A_151 : i32
      scf.if %cond3A_152 {
        %add3A_286 = arith.constant 1 : i32
        %add3A_287 = arith.addi %mul3A_113, %add3A_286 : i32
        %get3A_288 = arith.index_cast %add3A_287 : i32 to index
        %get3A_289 = tpu.vector_load %arg6[%get3A_288] {strides = array<i32>} : memref<10016xi32, #tpu.memory_space<vmem>>, vector<16xi32>,
        %ne3A_290 = arith.cmpi ne, %get3A_115, %get3A_289 : vector<16xi32>
        %or3A = arith.ori %ne3A_290, %eq3A_63 : vector<16xi1>
        %and3A = arith.andi %ne3A_290, %ne3A_65 : vector<16xi1>
        %mul3A_291 = arith.constant 3 : i32
        %mul3A_292 = vector.broadcast %mul3A_291 : i32 to vector<16xi32>
        %mul3A_293 = arith.muli %get3A_289, %mul3A_292 : vector<16xi32>
        %add3A_294 = arith.constant 0 : i32
        %add3A_295 = vector.broadcast %add3A_294 : i32 to vector<16xi32>
        %add3A_296 = arith.addi %mul3A_118, %add3A_295 : vector<16xi32>
        tpu.vector_store_idx %arg7[%add3A_296], %masked_cumsum3A_125 masked %or3A {add = true} : memref<6144xf32, #tpu.memory_space<vmem>>[vector<16xi32>], vector<16xf32>, vector<16xi1>
        %add3A_297 = arith.constant 0 : i32
        %add3A_298 = vector.broadcast %add3A_297 : i32 to vector<16xi32>
        %add3A_299 = arith.addi %mul3A_293, %add3A_298 : vector<16xi32>
        %neg3A = arith.constant 0.000000e+00 : f32
        %neg3A_300 = vector.broadcast %neg3A : f32 to vector<16xf32>
        %neg3A_301 = arith.subf %neg3A_300, %masked_cumsum3A_125 : vector<16xf32>
        tpu.vector_store_idx %arg7[%add3A_299], %neg3A_301 masked %and3A {add = true} : memref<6144xf32, #tpu.memory_space<vmem>>[vector<16xi32>], vector<16xf32>, vector<16xi1>
        %add3A_302 = arith.constant 1 : i32
        %add3A_303 = vector.broadcast %add3A_302 : i32 to vector<16xi32>
        %add3A_304 = arith.addi %mul3A_118, %add3A_303 : vector<16xi32>
        tpu.vector_store_idx %arg7[%add3A_304], %masked_cumsum3A_132 masked %or3A {add = true} : memref<6144xf32, #tpu.memory_space<vmem>>[vector<16xi32>], vector<16xf32>, vector<16xi1>
        %add3A_305 = arith.constant 1 : i32
        %add3A_306 = vector.broadcast %add3A_305 : i32 to vector<16xi32>
        %add3A_307 = arith.addi %mul3A_293, %add3A_306 : vector<16xi32>
        %neg3A_308 = arith.constant 0.000000e+00 : f32
        %neg3A_309 = vector.broadcast %neg3A_308 : f32 to vector<16xf32>
        %neg3A_310 = arith.subf %neg3A_309, %masked_cumsum3A_132 : vector<16xf32>
        tpu.vector_store_idx %arg7[%add3A_307], %neg3A_310 masked %and3A {add = true} : memref<6144xf32, #tpu.memory_space<vmem>>[vector<16xi32>], vector<16xf32>, vector<16xi1>
        %add3A_311 = arith.constant 2 : i32
        %add3A_312 = vector.broadcast %add3A_311 : i32 to vector<16xi32>
        %add3A_313 = arith.addi %mul3A_118, %add3A_312 : vector<16xi32>
        tpu.vector_store_idx %arg7[%add3A_313], %masked_cumsum3A_139 masked %or3A {add = true} : memref<6144xf32, #tpu.memory_space<vmem>>[vector<16xi32>], vector<16xf32>, vector<16xi1>
        %add3A_314 = arith.constant 2 : i32
        %add3A_315 = vector.broadcast %add3A_314 : i32 to vector<16xi32>
        %add3A_316 = arith.addi %mul3A_293, %add3A_315 : vector<16xi32>
        %neg3A_317 = arith.constant 0.000000e+00 : f32
        %neg3A_318 = vector.broadcast %neg3A_317 : f32 to vector<16xf32>
        %neg3A_319 = arith.subf %neg3A_318, %masked_cumsum3A_139 : vector<16xf32>
        tpu.vector_store_idx %arg7[%add3A_316], %neg3A_319 masked %and3A {add = true} : memref<6144xf32, #tpu.memory_space<vmem>>[vector<16xi32>], vector<16xf32>, vector<16xi1>
      } else {
      }
      %scan3A_153 = arith.constant 0 : i32
      %scan3A_154 = arith.constant 1 : i32
      %scan3A_155 = arith.addi %scan3A_110, %scan3A_154 : i32
      %mul3A_156 = arith.constant 16 : i32
      %mul3A_157 = arith.muli %scan3A_155, %mul3A_156 : i32
      %get3A_158 = arith.index_cast %mul3A_157 : i32 to index
      %get3A_159 = tpu.vector_load %arg6[%get3A_158] {strides = array<i32>} : memref<10016xi32, #tpu.memory_space<vmem>>, vector<16xi32>,
      %mul3A_160 = arith.constant 3 : i32
      %mul3A_161 = vector.broadcast %mul3A_160 : i32 to vector<16xi32>
      %mul3A_162 = arith.muli %get3A_159, %mul3A_161 : vector<16xi32>
      %add3A_163 = arith.constant 0 : i32
      %add3A_164 = arith.addi %add3A_163, %mul3A_157 : i32
      %get3A_165 = arith.index_cast %add3A_164 : i32 to index
      %get3A_166 = tpu.vector_load %arg5[%get3A_165] {strides = array<i32>} : memref<30000xf32, #tpu.memory_space<vmem>>, vector<16xf32>,
      %broadcast_in_dim3A_167 = arith.constant true
      %broadcast_in_dim3A_168 = vector.broadcast %broadcast_in_dim3A_167 : i1 to vector<16xi1>
      %masked_cumsum3A_169 = tpu.scan <sum>, %get3A_166 masked %broadcast_in_dim3A_168 : vector<16xf32>, vector<16xi1> -> vector<16xf32>
      %add3A_170 = arith.constant 10000 : i32
      %add3A_171 = arith.addi %add3A_170, %mul3A_157 : i32
      %get3A_172 = arith.index_cast %add3A_171 : i32 to index
      %get3A_173 = tpu.vector_load %arg5[%get3A_172] {strides = array<i32>} : memref<30000xf32, #tpu.memory_space<vmem>>, vector<16xf32>,
      %broadcast_in_dim3A_174 = arith.constant true
      %broadcast_in_dim3A_175 = vector.broadcast %broadcast_in_dim3A_174 : i1 to vector<16xi1>
      %masked_cumsum3A_176 = tpu.scan <sum>, %get3A_173 masked %broadcast_in_dim3A_175 : vector<16xf32>, vector<16xi1> -> vector<16xf32>
      %add3A_177 = arith.constant 20000 : i32
      %add3A_178 = arith.addi %add3A_177, %mul3A_157 : i32
      %get3A_179 = arith.index_cast %add3A_178 : i32 to index
      %get3A_180 = tpu.vector_load %arg5[%get3A_179] {strides = array<i32>} : memref<30000xf32, #tpu.memory_space<vmem>>, vector<16xf32>,
      %broadcast_in_dim3A_181 = arith.constant true
      %broadcast_in_dim3A_182 = vector.broadcast %broadcast_in_dim3A_181 : i1 to vector<16xi1>
      %masked_cumsum3A_183 = tpu.scan <sum>, %get3A_180 masked %broadcast_in_dim3A_182 : vector<16xf32>, vector<16xi1> -> vector<16xf32>
      %slice3A_184 = vector.extract_strided_slice %get3A_159 {offsets = [0], sizes = [1], strides = [1]} : vector<16xi32> to vector<1xi32>
      %squeeze3A_185 = vector.extract %slice3A_184[0] : i32 from vector<1xi32>
      %slice3A_186 = vector.extract_strided_slice %get3A_159 {offsets = [15], sizes = [1], strides = [1]} : vector<16xi32> to vector<1xi32>
      %squeeze3A_187 = vector.extract %slice3A_186[0] : i32 from vector<1xi32>
      %eq3A_188 = arith.cmpi eq, %squeeze3A_185, %squeeze3A_187 : i32
      %convert_element_type3A_189 = arith.extui %eq3A_188 : i1 to i32
      %cond3A_190 = arith.constant 0 : i32
      %cond3A_191 = arith.cmpi ne, %convert_element_type3A_189, %cond3A_190 : i32
      scf.if %cond3A_191 {
        %add3A_286 = arith.constant 0 : i32
        %add3A_287 = vector.broadcast %add3A_286 : i32 to vector<16xi32>
        %add3A_288 = arith.addi %mul3A_162, %add3A_287 : vector<16xi32>
        tpu.vector_store_idx %arg7[%add3A_288], %masked_cumsum3A_169 masked %eq3A_63 {add = true} : memref<6144xf32, #tpu.memory_space<vmem>>[vector<16xi32>], vector<16xf32>, vector<16xi1>
        %add3A_289 = arith.constant 1 : i32
        %add3A_290 = vector.broadcast %add3A_289 : i32 to vector<16xi32>
        %add3A_291 = arith.addi %mul3A_162, %add3A_290 : vector<16xi32>
        tpu.vector_store_idx %arg7[%add3A_291], %masked_cumsum3A_176 masked %eq3A_63 {add = true} : memref<6144xf32, #tpu.memory_space<vmem>>[vector<16xi32>], vector<16xf32>, vector<16xi1>
        %add3A_292 = arith.constant 2 : i32
        %add3A_293 = vector.broadcast %add3A_292 : i32 to vector<16xi32>
        %add3A_294 = arith.addi %mul3A_162, %add3A_293 : vector<16xi32>
        tpu.vector_store_idx %arg7[%add3A_294], %masked_cumsum3A_183 masked %eq3A_63 {add = true} : memref<6144xf32, #tpu.memory_space<vmem>>[vector<16xi32>], vector<16xf32>, vector<16xi1>
      } else {
      }
      %not3A_192 = arith.constant true
      %not3A_193 = arith.xori %eq3A_188, %not3A_192 : i1
      %convert_element_type3A_194 = arith.extui %not3A_193 : i1 to i32
      %cond3A_195 = arith.constant 0 : i32
      %cond3A_196 = arith.cmpi ne, %convert_element_type3A_194, %cond3A_195 : i32
      scf.if %cond3A_196 {
        %add3A_286 = arith.constant 1 : i32
        %add3A_287 = arith.addi %mul3A_157, %add3A_286 : i32
        %get3A_288 = arith.index_cast %add3A_287 : i32 to index
        %get3A_289 = tpu.vector_load %arg6[%get3A_288] {strides = array<i32>} : memref<10016xi32, #tpu.memory_space<vmem>>, vector<16xi32>,
        %ne3A_290 = arith.cmpi ne, %get3A_159, %get3A_289 : vector<16xi32>
        %or3A = arith.ori %ne3A_290, %eq3A_63 : vector<16xi1>
        %and3A = arith.andi %ne3A_290, %ne3A_65 : vector<16xi1>
        %mul3A_291 = arith.constant 3 : i32
        %mul3A_292 = vector.broadcast %mul3A_291 : i32 to vector<16xi32>
        %mul3A_293 = arith.muli %get3A_289, %mul3A_292 : vector<16xi32>
        %add3A_294 = arith.constant 0 : i32
        %add3A_295 = vector.broadcast %add3A_294 : i32 to vector<16xi32>
        %add3A_296 = arith.addi %mul3A_162, %add3A_295 : vector<16xi32>
        tpu.vector_store_idx %arg7[%add3A_296], %masked_cumsum3A_169 masked %or3A {add = true} : memref<6144xf32, #tpu.memory_space<vmem>>[vector<16xi32>], vector<16xf32>, vector<16xi1>
        %add3A_297 = arith.constant 0 : i32
        %add3A_298 = vector.broadcast %add3A_297 : i32 to vector<16xi32>
        %add3A_299 = arith.addi %mul3A_293, %add3A_298 : vector<16xi32>
        %neg3A = arith.constant 0.000000e+00 : f32
        %neg3A_300 = vector.broadcast %neg3A : f32 to vector<16xf32>
        %neg3A_301 = arith.subf %neg3A_300, %masked_cumsum3A_169 : vector<16xf32>
        tpu.vector_store_idx %arg7[%add3A_299], %neg3A_301 masked %and3A {add = true} : memref<6144xf32, #tpu.memory_space<vmem>>[vector<16xi32>], vector<16xf32>, vector<16xi1>
        %add3A_302 = arith.constant 1 : i32
        %add3A_303 = vector.broadcast %add3A_302 : i32 to vector<16xi32>
        %add3A_304 = arith.addi %mul3A_162, %add3A_303 : vector<16xi32>
        tpu.vector_store_idx %arg7[%add3A_304], %masked_cumsum3A_176 masked %or3A {add = true} : memref<6144xf32, #tpu.memory_space<vmem>>[vector<16xi32>], vector<16xf32>, vector<16xi1>
        %add3A_305 = arith.constant 1 : i32
        %add3A_306 = vector.broadcast %add3A_305 : i32 to vector<16xi32>
        %add3A_307 = arith.addi %mul3A_293, %add3A_306 : vector<16xi32>
        %neg3A_308 = arith.constant 0.000000e+00 : f32
        %neg3A_309 = vector.broadcast %neg3A_308 : f32 to vector<16xf32>
        %neg3A_310 = arith.subf %neg3A_309, %masked_cumsum3A_176 : vector<16xf32>
        tpu.vector_store_idx %arg7[%add3A_307], %neg3A_310 masked %and3A {add = true} : memref<6144xf32, #tpu.memory_space<vmem>>[vector<16xi32>], vector<16xf32>, vector<16xi1>
        %add3A_311 = arith.constant 2 : i32
        %add3A_312 = vector.broadcast %add3A_311 : i32 to vector<16xi32>
        %add3A_313 = arith.addi %mul3A_162, %add3A_312 : vector<16xi32>
        tpu.vector_store_idx %arg7[%add3A_313], %masked_cumsum3A_183 masked %or3A {add = true} : memref<6144xf32, #tpu.memory_space<vmem>>[vector<16xi32>], vector<16xf32>, vector<16xi1>
        %add3A_314 = arith.constant 2 : i32
        %add3A_315 = vector.broadcast %add3A_314 : i32 to vector<16xi32>
        %add3A_316 = arith.addi %mul3A_293, %add3A_315 : vector<16xi32>
        %neg3A_317 = arith.constant 0.000000e+00 : f32
        %neg3A_318 = vector.broadcast %neg3A_317 : f32 to vector<16xf32>
        %neg3A_319 = arith.subf %neg3A_318, %masked_cumsum3A_183 : vector<16xf32>
        tpu.vector_store_idx %arg7[%add3A_316], %neg3A_319 masked %and3A {add = true} : memref<6144xf32, #tpu.memory_space<vmem>>[vector<16xi32>], vector<16xf32>, vector<16xi1>
      } else {
      }
      %scan3A_197 = arith.constant 0 : i32
      %scan3A_198 = arith.constant 2 : i32
      %scan3A_199 = arith.addi %scan3A_110, %scan3A_198 : i32
      %mul3A_200 = arith.constant 16 : i32
      %mul3A_201 = arith.muli %scan3A_199, %mul3A_200 : i32
      %get3A_202 = arith.index_cast %mul3A_201 : i32 to index
      %get3A_203 = tpu.vector_load %arg6[%get3A_202] {strides = array<i32>} : memref<10016xi32, #tpu.memory_space<vmem>>, vector<16xi32>,
      %mul3A_204 = arith.constant 3 : i32
      %mul3A_205 = vector.broadcast %mul3A_204 : i32 to vector<16xi32>
      %mul3A_206 = arith.muli %get3A_203, %mul3A_205 : vector<16xi32>
      %add3A_207 = arith.constant 0 : i32
      %add3A_208 = arith.addi %add3A_207, %mul3A_201 : i32
      %get3A_209 = arith.index_cast %add3A_208 : i32 to index
      %get3A_210 = tpu.vector_load %arg5[%get3A_209] {strides = array<i32>} : memref<30000xf32, #tpu.memory_space<vmem>>, vector<16xf32>,
      %broadcast_in_dim3A_211 = arith.constant true
      %broadcast_in_dim3A_212 = vector.broadcast %broadcast_in_dim3A_211 : i1 to vector<16xi1>
      %masked_cumsum3A_213 = tpu.scan <sum>, %get3A_210 masked %broadcast_in_dim3A_212 : vector<16xf32>, vector<16xi1> -> vector<16xf32>
      %add3A_214 = arith.constant 10000 : i32
      %add3A_215 = arith.addi %add3A_214, %mul3A_201 : i32
      %get3A_216 = arith.index_cast %add3A_215 : i32 to index
      %get3A_217 = tpu.vector_load %arg5[%get3A_216] {strides = array<i32>} : memref<30000xf32, #tpu.memory_space<vmem>>, vector<16xf32>,
      %broadcast_in_dim3A_218 = arith.constant true
      %broadcast_in_dim3A_219 = vector.broadcast %broadcast_in_dim3A_218 : i1 to vector<16xi1>
      %masked_cumsum3A_220 = tpu.scan <sum>, %get3A_217 masked %broadcast_in_dim3A_219 : vector<16xf32>, vector<16xi1> -> vector<16xf32>
      %add3A_221 = arith.constant 20000 : i32
      %add3A_222 = arith.addi %add3A_221, %mul3A_201 : i32
      %get3A_223 = arith.index_cast %add3A_222 : i32 to index
      %get3A_224 = tpu.vector_load %arg5[%get3A_223] {strides = array<i32>} : memref<30000xf32, #tpu.memory_space<vmem>>, vector<16xf32>,
      %broadcast_in_dim3A_225 = arith.constant true
      %broadcast_in_dim3A_226 = vector.broadcast %broadcast_in_dim3A_225 : i1 to vector<16xi1>
      %masked_cumsum3A_227 = tpu.scan <sum>, %get3A_224 masked %broadcast_in_dim3A_226 : vector<16xf32>, vector<16xi1> -> vector<16xf32>
      %slice3A_228 = vector.extract_strided_slice %get3A_203 {offsets = [0], sizes = [1], strides = [1]} : vector<16xi32> to vector<1xi32>
      %squeeze3A_229 = vector.extract %slice3A_228[0] : i32 from vector<1xi32>
      %slice3A_230 = vector.extract_strided_slice %get3A_203 {offsets = [15], sizes = [1], strides = [1]} : vector<16xi32> to vector<1xi32>
      %squeeze3A_231 = vector.extract %slice3A_230[0] : i32 from vector<1xi32>
      %eq3A_232 = arith.cmpi eq, %squeeze3A_229, %squeeze3A_231 : i32
      %convert_element_type3A_233 = arith.extui %eq3A_232 : i1 to i32
      %cond3A_234 = arith.constant 0 : i32
      %cond3A_235 = arith.cmpi ne, %convert_element_type3A_233, %cond3A_234 : i32
      scf.if %cond3A_235 {
        %add3A_286 = arith.constant 0 : i32
        %add3A_287 = vector.broadcast %add3A_286 : i32 to vector<16xi32>
        %add3A_288 = arith.addi %mul3A_206, %add3A_287 : vector<16xi32>
        tpu.vector_store_idx %arg7[%add3A_288], %masked_cumsum3A_213 masked %eq3A_63 {add = true} : memref<6144xf32, #tpu.memory_space<vmem>>[vector<16xi32>], vector<16xf32>, vector<16xi1>
        %add3A_289 = arith.constant 1 : i32
        %add3A_290 = vector.broadcast %add3A_289 : i32 to vector<16xi32>
        %add3A_291 = arith.addi %mul3A_206, %add3A_290 : vector<16xi32>
        tpu.vector_store_idx %arg7[%add3A_291], %masked_cumsum3A_220 masked %eq3A_63 {add = true} : memref<6144xf32, #tpu.memory_space<vmem>>[vector<16xi32>], vector<16xf32>, vector<16xi1>
        %add3A_292 = arith.constant 2 : i32
        %add3A_293 = vector.broadcast %add3A_292 : i32 to vector<16xi32>
        %add3A_294 = arith.addi %mul3A_206, %add3A_293 : vector<16xi32>
        tpu.vector_store_idx %arg7[%add3A_294], %masked_cumsum3A_227 masked %eq3A_63 {add = true} : memref<6144xf32, #tpu.memory_space<vmem>>[vector<16xi32>], vector<16xf32>, vector<16xi1>
      } else {
      }
      %not3A_236 = arith.constant true
      %not3A_237 = arith.xori %eq3A_232, %not3A_236 : i1
      %convert_element_type3A_238 = arith.extui %not3A_237 : i1 to i32
      %cond3A_239 = arith.constant 0 : i32
      %cond3A_240 = arith.cmpi ne, %convert_element_type3A_238, %cond3A_239 : i32
      scf.if %cond3A_240 {
        %add3A_286 = arith.constant 1 : i32
        %add3A_287 = arith.addi %mul3A_201, %add3A_286 : i32
        %get3A_288 = arith.index_cast %add3A_287 : i32 to index
        %get3A_289 = tpu.vector_load %arg6[%get3A_288] {strides = array<i32>} : memref<10016xi32, #tpu.memory_space<vmem>>, vector<16xi32>,
        %ne3A_290 = arith.cmpi ne, %get3A_203, %get3A_289 : vector<16xi32>
        %or3A = arith.ori %ne3A_290, %eq3A_63 : vector<16xi1>
        %and3A = arith.andi %ne3A_290, %ne3A_65 : vector<16xi1>
        %mul3A_291 = arith.constant 3 : i32
        %mul3A_292 = vector.broadcast %mul3A_291 : i32 to vector<16xi32>
        %mul3A_293 = arith.muli %get3A_289, %mul3A_292 : vector<16xi32>
        %add3A_294 = arith.constant 0 : i32
        %add3A_295 = vector.broadcast %add3A_294 : i32 to vector<16xi32>
        %add3A_296 = arith.addi %mul3A_206, %add3A_295 : vector<16xi32>
        tpu.vector_store_idx %arg7[%add3A_296], %masked_cumsum3A_213 masked %or3A {add = true} : memref<6144xf32, #tpu.memory_space<vmem>>[vector<16xi32>], vector<16xf32>, vector<16xi1>
        %add3A_297 = arith.constant 0 : i32
        %add3A_298 = vector.broadcast %add3A_297 : i32 to vector<16xi32>
        %add3A_299 = arith.addi %mul3A_293, %add3A_298 : vector<16xi32>
        %neg3A = arith.constant 0.000000e+00 : f32
        %neg3A_300 = vector.broadcast %neg3A : f32 to vector<16xf32>
        %neg3A_301 = arith.subf %neg3A_300, %masked_cumsum3A_213 : vector<16xf32>
        tpu.vector_store_idx %arg7[%add3A_299], %neg3A_301 masked %and3A {add = true} : memref<6144xf32, #tpu.memory_space<vmem>>[vector<16xi32>], vector<16xf32>, vector<16xi1>
        %add3A_302 = arith.constant 1 : i32
        %add3A_303 = vector.broadcast %add3A_302 : i32 to vector<16xi32>
        %add3A_304 = arith.addi %mul3A_206, %add3A_303 : vector<16xi32>
        tpu.vector_store_idx %arg7[%add3A_304], %masked_cumsum3A_220 masked %or3A {add = true} : memref<6144xf32, #tpu.memory_space<vmem>>[vector<16xi32>], vector<16xf32>, vector<16xi1>
        %add3A_305 = arith.constant 1 : i32
        %add3A_306 = vector.broadcast %add3A_305 : i32 to vector<16xi32>
        %add3A_307 = arith.addi %mul3A_293, %add3A_306 : vector<16xi32>
        %neg3A_308 = arith.constant 0.000000e+00 : f32
        %neg3A_309 = vector.broadcast %neg3A_308 : f32 to vector<16xf32>
        %neg3A_310 = arith.subf %neg3A_309, %masked_cumsum3A_220 : vector<16xf32>
        tpu.vector_store_idx %arg7[%add3A_307], %neg3A_310 masked %and3A {add = true} : memref<6144xf32, #tpu.memory_space<vmem>>[vector<16xi32>], vector<16xf32>, vector<16xi1>
        %add3A_311 = arith.constant 2 : i32
        %add3A_312 = vector.broadcast %add3A_311 : i32 to vector<16xi32>
        %add3A_313 = arith.addi %mul3A_206, %add3A_312 : vector<16xi32>
        tpu.vector_store_idx %arg7[%add3A_313], %masked_cumsum3A_227 masked %or3A {add = true} : memref<6144xf32, #tpu.memory_space<vmem>>[vector<16xi32>], vector<16xf32>, vector<16xi1>
        %add3A_314 = arith.constant 2 : i32
        %add3A_315 = vector.broadcast %add3A_314 : i32 to vector<16xi32>
        %add3A_316 = arith.addi %mul3A_293, %add3A_315 : vector<16xi32>
        %neg3A_317 = arith.constant 0.000000e+00 : f32
        %neg3A_318 = vector.broadcast %neg3A_317 : f32 to vector<16xf32>
        %neg3A_319 = arith.subf %neg3A_318, %masked_cumsum3A_227 : vector<16xf32>
        tpu.vector_store_idx %arg7[%add3A_316], %neg3A_319 masked %and3A {add = true} : memref<6144xf32, #tpu.memory_space<vmem>>[vector<16xi32>], vector<16xf32>, vector<16xi1>
      } else {
      }
      %scan3A_241 = arith.constant 0 : i32
      %scan3A_242 = arith.constant 3 : i32
      %scan3A_243 = arith.addi %scan3A_110, %scan3A_242 : i32
      %mul3A_244 = arith.constant 16 : i32
      %mul3A_245 = arith.muli %scan3A_243, %mul3A_244 : i32
      %get3A_246 = arith.index_cast %mul3A_245 : i32 to index
      %get3A_247 = tpu.vector_load %arg6[%get3A_246] {strides = array<i32>} : memref<10016xi32, #tpu.memory_space<vmem>>, vector<16xi32>,
      %mul3A_248 = arith.constant 3 : i32
      %mul3A_249 = vector.broadcast %mul3A_248 : i32 to vector<16xi32>
      %mul3A_250 = arith.muli %get3A_247, %mul3A_249 : vector<16xi32>
      %add3A_251 = arith.constant 0 : i32
      %add3A_252 = arith.addi %add3A_251, %mul3A_245 : i32
      %get3A_253 = arith.index_cast %add3A_252 : i32 to index
      %get3A_254 = tpu.vector_load %arg5[%get3A_253] {strides = array<i32>} : memref<30000xf32, #tpu.memory_space<vmem>>, vector<16xf32>,
      %broadcast_in_dim3A_255 = arith.constant true
      %broadcast_in_dim3A_256 = vector.broadcast %broadcast_in_dim3A_255 : i1 to vector<16xi1>
      %masked_cumsum3A_257 = tpu.scan <sum>, %get3A_254 masked %broadcast_in_dim3A_256 : vector<16xf32>, vector<16xi1> -> vector<16xf32>
      %add3A_258 = arith.constant 10000 : i32
      %add3A_259 = arith.addi %add3A_258, %mul3A_245 : i32
      %get3A_260 = arith.index_cast %add3A_259 : i32 to index
      %get3A_261 = tpu.vector_load %arg5[%get3A_260] {strides = array<i32>} : memref<30000xf32, #tpu.memory_space<vmem>>, vector<16xf32>,
      %broadcast_in_dim3A_262 = arith.constant true
      %broadcast_in_dim3A_263 = vector.broadcast %broadcast_in_dim3A_262 : i1 to vector<16xi1>
      %masked_cumsum3A_264 = tpu.scan <sum>, %get3A_261 masked %broadcast_in_dim3A_263 : vector<16xf32>, vector<16xi1> -> vector<16xf32>
      %add3A_265 = arith.constant 20000 : i32
      %add3A_266 = arith.addi %add3A_265, %mul3A_245 : i32
      %get3A_267 = arith.index_cast %add3A_266 : i32 to index
      %get3A_268 = tpu.vector_load %arg5[%get3A_267] {strides = array<i32>} : memref<30000xf32, #tpu.memory_space<vmem>>, vector<16xf32>,
      %broadcast_in_dim3A_269 = arith.constant true
      %broadcast_in_dim3A_270 = vector.broadcast %broadcast_in_dim3A_269 : i1 to vector<16xi1>
      %masked_cumsum3A_271 = tpu.scan <sum>, %get3A_268 masked %broadcast_in_dim3A_270 : vector<16xf32>, vector<16xi1> -> vector<16xf32>
      %slice3A_272 = vector.extract_strided_slice %get3A_247 {offsets = [0], sizes = [1], strides = [1]} : vector<16xi32> to vector<1xi32>
      %squeeze3A_273 = vector.extract %slice3A_272[0] : i32 from vector<1xi32>
      %slice3A_274 = vector.extract_strided_slice %get3A_247 {offsets = [15], sizes = [1], strides = [1]} : vector<16xi32> to vector<1xi32>
      %squeeze3A_275 = vector.extract %slice3A_274[0] : i32 from vector<1xi32>
      %eq3A_276 = arith.cmpi eq, %squeeze3A_273, %squeeze3A_275 : i32
      %convert_element_type3A_277 = arith.extui %eq3A_276 : i1 to i32
      %cond3A_278 = arith.constant 0 : i32
      %cond3A_279 = arith.cmpi ne, %convert_element_type3A_277, %cond3A_278 : i32
      scf.if %cond3A_279 {
        %add3A_286 = arith.constant 0 : i32
        %add3A_287 = vector.broadcast %add3A_286 : i32 to vector<16xi32>
        %add3A_288 = arith.addi %mul3A_250, %add3A_287 : vector<16xi32>
        tpu.vector_store_idx %arg7[%add3A_288], %masked_cumsum3A_257 masked %eq3A_63 {add = true} : memref<6144xf32, #tpu.memory_space<vmem>>[vector<16xi32>], vector<16xf32>, vector<16xi1>
        %add3A_289 = arith.constant 1 : i32
        %add3A_290 = vector.broadcast %add3A_289 : i32 to vector<16xi32>
        %add3A_291 = arith.addi %mul3A_250, %add3A_290 : vector<16xi32>
        tpu.vector_store_idx %arg7[%add3A_291], %masked_cumsum3A_264 masked %eq3A_63 {add = true} : memref<6144xf32, #tpu.memory_space<vmem>>[vector<16xi32>], vector<16xf32>, vector<16xi1>
        %add3A_292 = arith.constant 2 : i32
        %add3A_293 = vector.broadcast %add3A_292 : i32 to vector<16xi32>
        %add3A_294 = arith.addi %mul3A_250, %add3A_293 : vector<16xi32>
        tpu.vector_store_idx %arg7[%add3A_294], %masked_cumsum3A_271 masked %eq3A_63 {add = true} : memref<6144xf32, #tpu.memory_space<vmem>>[vector<16xi32>], vector<16xf32>, vector<16xi1>
      } else {
      }
      %not3A_280 = arith.constant true
      %not3A_281 = arith.xori %eq3A_276, %not3A_280 : i1
      %convert_element_type3A_282 = arith.extui %not3A_281 : i1 to i32
      %cond3A_283 = arith.constant 0 : i32
      %cond3A_284 = arith.cmpi ne, %convert_element_type3A_282, %cond3A_283 : i32
      scf.if %cond3A_284 {
        %add3A_286 = arith.constant 1 : i32
        %add3A_287 = arith.addi %mul3A_245, %add3A_286 : i32
        %get3A_288 = arith.index_cast %add3A_287 : i32 to index
        %get3A_289 = tpu.vector_load %arg6[%get3A_288] {strides = array<i32>} : memref<10016xi32, #tpu.memory_space<vmem>>, vector<16xi32>,
        %ne3A_290 = arith.cmpi ne, %get3A_247, %get3A_289 : vector<16xi32>
        %or3A = arith.ori %ne3A_290, %eq3A_63 : vector<16xi1>
        %and3A = arith.andi %ne3A_290, %ne3A_65 : vector<16xi1>
        %mul3A_291 = arith.constant 3 : i32
        %mul3A_292 = vector.broadcast %mul3A_291 : i32 to vector<16xi32>
        %mul3A_293 = arith.muli %get3A_289, %mul3A_292 : vector<16xi32>
        %add3A_294 = arith.constant 0 : i32
        %add3A_295 = vector.broadcast %add3A_294 : i32 to vector<16xi32>
        %add3A_296 = arith.addi %mul3A_250, %add3A_295 : vector<16xi32>
        tpu.vector_store_idx %arg7[%add3A_296], %masked_cumsum3A_257 masked %or3A {add = true} : memref<6144xf32, #tpu.memory_space<vmem>>[vector<16xi32>], vector<16xf32>, vector<16xi1>
        %add3A_297 = arith.constant 0 : i32
        %add3A_298 = vector.broadcast %add3A_297 : i32 to vector<16xi32>
        %add3A_299 = arith.addi %mul3A_293, %add3A_298 : vector<16xi32>
        %neg3A = arith.constant 0.000000e+00 : f32
        %neg3A_300 = vector.broadcast %neg3A : f32 to vector<16xf32>
        %neg3A_301 = arith.subf %neg3A_300, %masked_cumsum3A_257 : vector<16xf32>
        tpu.vector_store_idx %arg7[%add3A_299], %neg3A_301 masked %and3A {add = true} : memref<6144xf32, #tpu.memory_space<vmem>>[vector<16xi32>], vector<16xf32>, vector<16xi1>
        %add3A_302 = arith.constant 1 : i32
        %add3A_303 = vector.broadcast %add3A_302 : i32 to vector<16xi32>
        %add3A_304 = arith.addi %mul3A_250, %add3A_303 : vector<16xi32>
        tpu.vector_store_idx %arg7[%add3A_304], %masked_cumsum3A_264 masked %or3A {add = true} : memref<6144xf32, #tpu.memory_space<vmem>>[vector<16xi32>], vector<16xf32>, vector<16xi1>
        %add3A_305 = arith.constant 1 : i32
        %add3A_306 = vector.broadcast %add3A_305 : i32 to vector<16xi32>
        %add3A_307 = arith.addi %mul3A_293, %add3A_306 : vector<16xi32>
        %neg3A_308 = arith.constant 0.000000e+00 : f32
        %neg3A_309 = vector.broadcast %neg3A_308 : f32 to vector<16xf32>
        %neg3A_310 = arith.subf %neg3A_309, %masked_cumsum3A_264 : vector<16xf32>
        tpu.vector_store_idx %arg7[%add3A_307], %neg3A_310 masked %and3A {add = true} : memref<6144xf32, #tpu.memory_space<vmem>>[vector<16xi32>], vector<16xf32>, vector<16xi1>
        %add3A_311 = arith.constant 2 : i32
        %add3A_312 = vector.broadcast %add3A_311 : i32 to vector<16xi32>
        %add3A_313 = arith.addi %mul3A_250, %add3A_312 : vector<16xi32>
        tpu.vector_store_idx %arg7[%add3A_313], %masked_cumsum3A_271 masked %or3A {add = true} : memref<6144xf32, #tpu.memory_space<vmem>>[vector<16xi32>], vector<16xf32>, vector<16xi1>
        %add3A_314 = arith.constant 2 : i32
        %add3A_315 = vector.broadcast %add3A_314 : i32 to vector<16xi32>
        %add3A_316 = arith.addi %mul3A_293, %add3A_315 : vector<16xi32>
        %neg3A_317 = arith.constant 0.000000e+00 : f32
        %neg3A_318 = vector.broadcast %neg3A_317 : f32 to vector<16xf32>
        %neg3A_319 = arith.subf %neg3A_318, %masked_cumsum3A_271 : vector<16xf32>
        tpu.vector_store_idx %arg7[%add3A_316], %neg3A_319 masked %and3A {add = true} : memref<6144xf32, #tpu.memory_space<vmem>>[vector<16xi32>], vector<16xf32>, vector<16xi1>
      } else {
      }
      %scan3A_285 = arith.constant 0 : i32
      scf.yield %scan3A_285 : i32
    }
    %scan3A_72 = arith.constant 624 : i32
    %scan3A_73 = arith.addi %scan3A_67, %scan3A_72 : i32
    %mul3A_74 = arith.constant 16 : i32
    %mul3A_75 = arith.muli %scan3A_73, %mul3A_74 : i32
    %get3A = arith.index_cast %mul3A_75 : i32 to index
    %get3A_76 = tpu.vector_load %arg6[%get3A] {strides = array<i32>} : memref<10016xi32, #tpu.memory_space<vmem>>, vector<16xi32>,
    %mul3A_77 = arith.constant 3 : i32
    %mul3A_78 = vector.broadcast %mul3A_77 : i32 to vector<16xi32>
    %mul3A_79 = arith.muli %get3A_76, %mul3A_78 : vector<16xi32>
    %add3A_80 = arith.constant 0 : i32
    %add3A_81 = arith.addi %add3A_80, %mul3A_75 : i32
    %get3A_82 = arith.index_cast %add3A_81 : i32 to index
    %get3A_83 = tpu.vector_load %arg5[%get3A_82] {strides = array<i32>} : memref<30000xf32, #tpu.memory_space<vmem>>, vector<16xf32>,
    %broadcast_in_dim3A_84 = arith.constant true
    %broadcast_in_dim3A_85 = vector.broadcast %broadcast_in_dim3A_84 : i1 to vector<16xi1>
    %masked_cumsum3A = tpu.scan <sum>, %get3A_83 masked %broadcast_in_dim3A_85 : vector<16xf32>, vector<16xi1> -> vector<16xf32>
    %add3A_86 = arith.constant 10000 : i32
    %add3A_87 = arith.addi %add3A_86, %mul3A_75 : i32
    %get3A_88 = arith.index_cast %add3A_87 : i32 to index
    %get3A_89 = tpu.vector_load %arg5[%get3A_88] {strides = array<i32>} : memref<30000xf32, #tpu.memory_space<vmem>>, vector<16xf32>,
    %broadcast_in_dim3A_90 = arith.constant true
    %broadcast_in_dim3A_91 = vector.broadcast %broadcast_in_dim3A_90 : i1 to vector<16xi1>
    %masked_cumsum3A_92 = tpu.scan <sum>, %get3A_89 masked %broadcast_in_dim3A_91 : vector<16xf32>, vector<16xi1> -> vector<16xf32>
    %add3A_93 = arith.constant 20000 : i32
    %add3A_94 = arith.addi %add3A_93, %mul3A_75 : i32
    %get3A_95 = arith.index_cast %add3A_94 : i32 to index
    %get3A_96 = tpu.vector_load %arg5[%get3A_95] {strides = array<i32>} : memref<30000xf32, #tpu.memory_space<vmem>>, vector<16xf32>,
    %broadcast_in_dim3A_97 = arith.constant true
    %broadcast_in_dim3A_98 = vector.broadcast %broadcast_in_dim3A_97 : i1 to vector<16xi1>
    %masked_cumsum3A_99 = tpu.scan <sum>, %get3A_96 masked %broadcast_in_dim3A_98 : vector<16xf32>, vector<16xi1> -> vector<16xf32>
    %slice3A = vector.extract_strided_slice %get3A_76 {offsets = [0], sizes = [1], strides = [1]} : vector<16xi32> to vector<1xi32>
    %squeeze3A = vector.extract %slice3A[0] : i32 from vector<1xi32>
    %slice3A_100 = vector.extract_strided_slice %get3A_76 {offsets = [15], sizes = [1], strides = [1]} : vector<16xi32> to vector<1xi32>
    %squeeze3A_101 = vector.extract %slice3A_100[0] : i32 from vector<1xi32>
    %eq3A_102 = arith.cmpi eq, %squeeze3A, %squeeze3A_101 : i32
    %convert_element_type3A = arith.extui %eq3A_102 : i1 to i32
    %cond3A = arith.constant 0 : i32
    %cond3A_103 = arith.cmpi ne, %convert_element_type3A, %cond3A : i32
    scf.if %cond3A_103 {
      %add3A_110 = arith.constant 0 : i32
      %add3A_111 = vector.broadcast %add3A_110 : i32 to vector<16xi32>
      %add3A_112 = arith.addi %mul3A_79, %add3A_111 : vector<16xi32>
      tpu.vector_store_idx %arg7[%add3A_112], %masked_cumsum3A masked %eq3A_63 {add = true} : memref<6144xf32, #tpu.memory_space<vmem>>[vector<16xi32>], vector<16xf32>, vector<16xi1>
      %add3A_113 = arith.constant 1 : i32
      %add3A_114 = vector.broadcast %add3A_113 : i32 to vector<16xi32>
      %add3A_115 = arith.addi %mul3A_79, %add3A_114 : vector<16xi32>
      tpu.vector_store_idx %arg7[%add3A_115], %masked_cumsum3A_92 masked %eq3A_63 {add = true} : memref<6144xf32, #tpu.memory_space<vmem>>[vector<16xi32>], vector<16xf32>, vector<16xi1>
      %add3A_116 = arith.constant 2 : i32
      %add3A_117 = vector.broadcast %add3A_116 : i32 to vector<16xi32>
      %add3A_118 = arith.addi %mul3A_79, %add3A_117 : vector<16xi32>
      tpu.vector_store_idx %arg7[%add3A_118], %masked_cumsum3A_99 masked %eq3A_63 {add = true} : memref<6144xf32, #tpu.memory_space<vmem>>[vector<16xi32>], vector<16xf32>, vector<16xi1>
    } else {
    }
    %not3A = arith.constant true
    %not3A_104 = arith.xori %eq3A_102, %not3A : i1
    %convert_element_type3A_105 = arith.extui %not3A_104 : i1 to i32
    %cond3A_106 = arith.constant 0 : i32
    %cond3A_107 = arith.cmpi ne, %convert_element_type3A_105, %cond3A_106 : i32
    scf.if %cond3A_107 {
      %add3A_110 = arith.constant 1 : i32
      %add3A_111 = arith.addi %mul3A_75, %add3A_110 : i32
      %get3A_112 = arith.index_cast %add3A_111 : i32 to index
      %get3A_113 = tpu.vector_load %arg6[%get3A_112] {strides = array<i32>} : memref<10016xi32, #tpu.memory_space<vmem>>, vector<16xi32>,
      %ne3A_114 = arith.cmpi ne, %get3A_76, %get3A_113 : vector<16xi32>
      %or3A = arith.ori %ne3A_114, %eq3A_63 : vector<16xi1>
      %and3A = arith.andi %ne3A_114, %ne3A_65 : vector<16xi1>
      %mul3A_115 = arith.constant 3 : i32
      %mul3A_116 = vector.broadcast %mul3A_115 : i32 to vector<16xi32>
      %mul3A_117 = arith.muli %get3A_113, %mul3A_116 : vector<16xi32>
      %add3A_118 = arith.constant 0 : i32
      %add3A_119 = vector.broadcast %add3A_118 : i32 to vector<16xi32>
      %add3A_120 = arith.addi %mul3A_79, %add3A_119 : vector<16xi32>
      tpu.vector_store_idx %arg7[%add3A_120], %masked_cumsum3A masked %or3A {add = true} : memref<6144xf32, #tpu.memory_space<vmem>>[vector<16xi32>], vector<16xf32>, vector<16xi1>
      %add3A_121 = arith.constant 0 : i32
      %add3A_122 = vector.broadcast %add3A_121 : i32 to vector<16xi32>
      %add3A_123 = arith.addi %mul3A_117, %add3A_122 : vector<16xi32>
      %neg3A = arith.constant 0.000000e+00 : f32
      %neg3A_124 = vector.broadcast %neg3A : f32 to vector<16xf32>
      %neg3A_125 = arith.subf %neg3A_124, %masked_cumsum3A : vector<16xf32>
      tpu.vector_store_idx %arg7[%add3A_123], %neg3A_125 masked %and3A {add = true} : memref<6144xf32, #tpu.memory_space<vmem>>[vector<16xi32>], vector<16xf32>, vector<16xi1>
      %add3A_126 = arith.constant 1 : i32
      %add3A_127 = vector.broadcast %add3A_126 : i32 to vector<16xi32>
      %add3A_128 = arith.addi %mul3A_79, %add3A_127 : vector<16xi32>
      tpu.vector_store_idx %arg7[%add3A_128], %masked_cumsum3A_92 masked %or3A {add = true} : memref<6144xf32, #tpu.memory_space<vmem>>[vector<16xi32>], vector<16xf32>, vector<16xi1>
      %add3A_129 = arith.constant 1 : i32
      %add3A_130 = vector.broadcast %add3A_129 : i32 to vector<16xi32>
      %add3A_131 = arith.addi %mul3A_117, %add3A_130 : vector<16xi32>
      %neg3A_132 = arith.constant 0.000000e+00 : f32
      %neg3A_133 = vector.broadcast %neg3A_132 : f32 to vector<16xf32>
      %neg3A_134 = arith.subf %neg3A_133, %masked_cumsum3A_92 : vector<16xf32>
      tpu.vector_store_idx %arg7[%add3A_131], %neg3A_134 masked %and3A {add = true} : memref<6144xf32, #tpu.memory_space<vmem>>[vector<16xi32>], vector<16xf32>, vector<16xi1>
      %add3A_135 = arith.constant 2 : i32
      %add3A_136 = vector.broadcast %add3A_135 : i32 to vector<16xi32>
      %add3A_137 = arith.addi %mul3A_79, %add3A_136 : vector<16xi32>
      tpu.vector_store_idx %arg7[%add3A_137], %masked_cumsum3A_99 masked %or3A {add = true} : memref<6144xf32, #tpu.memory_space<vmem>>[vector<16xi32>], vector<16xf32>, vector<16xi1>
      %add3A_138 = arith.constant 2 : i32
      %add3A_139 = vector.broadcast %add3A_138 : i32 to vector<16xi32>
      %add3A_140 = arith.addi %mul3A_117, %add3A_139 : vector<16xi32>
      %neg3A_141 = arith.constant 0.000000e+00 : f32
      %neg3A_142 = vector.broadcast %neg3A_141 : f32 to vector<16xf32>
      %neg3A_143 = arith.subf %neg3A_142, %masked_cumsum3A_99 : vector<16xf32>
      tpu.vector_store_idx %arg7[%add3A_140], %neg3A_143 masked %and3A {add = true} : memref<6144xf32, #tpu.memory_space<vmem>>[vector<16xi32>], vector<16xf32>, vector<16xi1>
    } else {
    }
    %scan3A_108 = arith.constant 0 : i32
    %scan3A_109 = arith.constant 625 : i32
    "tpu.region"() ({
      %run_scoped3A = tpu.sem_alloc : memref<!tpu.dma_semaphore, #tpu.memory_space<semaphore_mem>>
      %dma_start3A_110 = arith.constant 0 : i32
      %dma_start3A_111 = tpu.memref_slice %arg4[%add3A, %dma_start3A_110] : memref<32x6144xf32, #tpu.memory_space<hbm>> -> memref<1x6144xf32, #tpu.memory_space<hbm>>
      %dma_start3A_112 = tpu.memref_squeeze %dma_start3A_111 : memref<1x6144xf32, #tpu.memory_space<hbm>> -> memref<6144xf32, #tpu.memory_space<hbm>>
      %dma_start3A_113 = arith.constant 0 : i32
      %dma_start3A_114 = tpu.memref_slice %arg4[%add3A, %dma_start3A_113] : memref<32x6144xf32, #tpu.memory_space<hbm>> -> memref<1x6144xf32, #tpu.memory_space<hbm>>
      %dma_start3A_115 = tpu.memref_squeeze %dma_start3A_114 : memref<1x6144xf32, #tpu.memory_space<hbm>> -> memref<6144xf32, #tpu.memory_space<hbm>>
      tpu.enqueue_dma source(%arg7 : memref<6144xf32, #tpu.memory_space<vmem>>) target(%dma_start3A_115 : memref<6144xf32, #tpu.memory_space<hbm>>) target_semaphore(%run_scoped3A : memref<!tpu.dma_semaphore, #tpu.memory_space<semaphore_mem>>)
      %dma_wait3A_116 = arith.constant 0 : i32
      %dma_wait3A_117 = tpu.memref_slice %arg4[%add3A, %dma_wait3A_116] : memref<32x6144xf32, #tpu.memory_space<hbm>> -> memref<1x6144xf32, #tpu.memory_space<hbm>>
      %dma_wait3A_118 = tpu.memref_squeeze %dma_wait3A_117 : memref<1x6144xf32, #tpu.memory_space<hbm>> -> memref<6144xf32, #tpu.memory_space<hbm>>
      %dma_wait3A_119 = arith.constant 0 : i32
      %dma_wait3A_120 = tpu.memref_slice %arg4[%add3A, %dma_wait3A_119] : memref<32x6144xf32, #tpu.memory_space<hbm>> -> memref<1x6144xf32, #tpu.memory_space<hbm>>
      %dma_wait3A_121 = tpu.memref_squeeze %dma_wait3A_120 : memref<1x6144xf32, #tpu.memory_space<hbm>> -> memref<6144xf32, #tpu.memory_space<hbm>>
      tpu.wait_dma2 semaphore(%run_scoped3A : memref<!tpu.dma_semaphore, #tpu.memory_space<semaphore_mem>>) src(%arg7 : memref<6144xf32, #tpu.memory_space<vmem>>) dst(%dma_wait3A_121 : memref<6144xf32, #tpu.memory_space<hbm>>)
      tpu.yield
    }) : () -> ()
    return
  }
}

module attributes {stable_mosaic.version = 14 : i64} {
  func.func @_reduce_body(%arg0: memref<32x6144xf32, #tpu.memory_space<vmem>>, %arg1: memref<1x6144xf32, #tpu.memory_space<vmem>>) attributes {dimension_semantics = [], scalar_prefetch = 0 : i64, scratch_operands = 0 : i64, tpu.core_type = #tpu.core_type<tc>} {
    %get3A = arith.constant 0 : index
    %get3A_0 = arith.constant 0 : index
    %get3A_1 = vector.load %arg0[%get3A, %get3A_0] : memref<32x6144xf32, #tpu.memory_space<vmem>>, vector<32x6144xf32>
    %reduce_sum3A = arith.constant dense<0.000000e+00> : vector<6144xf32>
    %reduce_sum3A_2 = vector.multi_reduction <add>, %get3A_1, %reduce_sum3A [0] : vector<32x6144xf32> to vector<6144xf32>
    %broadcast_in_dim3A = vector.shape_cast %reduce_sum3A_2 : vector<6144xf32> to vector<1x6144xf32>
    %swap3A = arith.constant 0 : index
    %swap3A_3 = arith.constant 0 : index
    %swap3A_4 = vector.load %arg1[%swap3A, %swap3A_3] : memref<1x6144xf32, #tpu.memory_space<vmem>>, vector<1x6144xf32>
    tpu.vector_store %arg1[%swap3A, %swap3A_3], %broadcast_in_dim3A {strides = array<i32>} : memref<1x6144xf32, #tpu.memory_space<vmem>>, vector<1x6144xf32>,
    return
  }
}

module attributes {stable_mosaic.version = 14 : i64} {
  func.func @_mlp_body(%arg0: i32, %arg1: memref<32000x128xf32, #tpu.memory_space<vmem>>, %arg2: memref<128x64xf32, #tpu.memory_space<vmem>>, %arg3: memref<1x64xf32, #tpu.memory_space<vmem>>, %arg4: memref<3x64xf32, #tpu.memory_space<vmem>>, %arg5: memref<3x1xf32, #tpu.memory_space<vmem>>, %arg6: memref<3x32000xf32, #tpu.memory_space<vmem>>) attributes {dimension_semantics = [#tpu.dimension_semantics<arbitrary>], iteration_bounds = array<i64: 10>, scalar_prefetch = 0 : i64, scratch_operands = 0 : i64, tpu.core_type = #tpu.core_type<tc>, window_params = [{transform_indices = @transform_0, window_bounds = array<i64: 32000, 128>}, {pipeline_mode = #tpu.pipeline_mode<synchronous>, transform_indices = @transform_1, window_bounds = array<i64: 128, 64>}, {pipeline_mode = #tpu.pipeline_mode<synchronous>, transform_indices = @transform_2, window_bounds = array<i64: 1, 64>}, {pipeline_mode = #tpu.pipeline_mode<synchronous>, transform_indices = @transform_3, window_bounds = array<i64: 3, 64>}, {pipeline_mode = #tpu.pipeline_mode<synchronous>, transform_indices = @transform_4, window_bounds = array<i64: 3, 1>}, {transform_indices = @transform_5, window_bounds = array<i64: 3, 32000>}]} {
    %get3A = arith.constant 0 : index
    %get3A_0 = arith.constant 0 : index
    %get3A_1 = vector.load %arg1[%get3A, %get3A_0] : memref<32000x128xf32, #tpu.memory_space<vmem>>, vector<32000x128xf32>
    %get3A_2 = arith.constant 0 : index
    %get3A_3 = arith.constant 0 : index
    %get3A_4 = vector.load %arg2[%get3A_2, %get3A_3] : memref<128x64xf32, #tpu.memory_space<vmem>>, vector<128x64xf32>
    %dot_general3A = arith.constant dense<0.000000e+00> : vector<32000x64xf32>
    %dot_general3A_5 = tpu.matmul %get3A_1, %get3A_4, %dot_general3A {dimension_numbers = #tpu.dot_dimension_numbers<[1], [0], [0], [1], [0, 0, 1, 1], [], []>, transpose_lhs_hint = false} : vector<32000x128xf32>, vector<128x64xf32>, vector<32000x64xf32> -> vector<32000x64xf32>
    %get3A_6 = arith.constant 0 : index
    %get3A_7 = arith.constant 0 : index
    %get3A_8 = vector.load %arg3[%get3A_6, %get3A_7] : memref<1x64xf32, #tpu.memory_space<vmem>>, vector<1x64xf32>
    %add3A = vector.broadcast %get3A_8 : vector<1x64xf32> to vector<32000x64xf32>
    %add3A_9 = arith.addf %dot_general3A_5, %add3A : vector<32000x64xf32>
    %mul3A = arith.constant 5.000000e-01 : f32
    %mul3A_10 = vector.broadcast %mul3A : f32 to vector<32000x64xf32>
    %mul3A_11 = arith.mulf %mul3A_10, %add3A_9 : vector<32000x64xf32>
    %tanh3A = math.tanh %mul3A_11 : vector<32000x64xf32>
    %mul3A_12 = arith.constant 5.000000e-01 : f32
    %mul3A_13 = vector.broadcast %mul3A_12 : f32 to vector<32000x64xf32>
    %mul3A_14 = arith.mulf %mul3A_13, %tanh3A : vector<32000x64xf32>
    %add3A_15 = arith.constant 5.000000e-01 : f32
    %add3A_16 = vector.broadcast %add3A_15 : f32 to vector<32000x64xf32>
    %add3A_17 = arith.addf %mul3A_14, %add3A_16 : vector<32000x64xf32>
    %mul3A_18 = arith.mulf %add3A_9, %add3A_17 : vector<32000x64xf32>
    %get3A_19 = arith.constant 0 : index
    %get3A_20 = arith.constant 0 : index
    %get3A_21 = vector.load %arg4[%get3A_19, %get3A_20] : memref<3x64xf32, #tpu.memory_space<vmem>>, vector<3x64xf32>
    %dot_general3A_22 = arith.constant dense<0.000000e+00> : vector<3x32000xf32>
    %dot_general3A_23 = tpu.matmul %get3A_21, %mul3A_18, %dot_general3A_22 {dimension_numbers = #tpu.dot_dimension_numbers<[1], [1], [0], [0], [0, 0, 1, 0], [], []>, transpose_lhs_hint = false} : vector<3x64xf32>, vector<32000x64xf32>, vector<3x32000xf32> -> vector<3x32000xf32>
    %get3A_24 = arith.constant 0 : index
    %get3A_25 = arith.constant 0 : index
    %get3A_26 = vector.load %arg5[%get3A_24, %get3A_25] : memref<3x1xf32, #tpu.memory_space<vmem>>, vector<3x1xf32>
    %add3A_27 = vector.broadcast %get3A_26 : vector<3x1xf32> to vector<3x32000xf32>
    %add3A_28 = arith.addf %dot_general3A_23, %add3A_27 : vector<3x32000xf32>
    %swap3A = arith.constant 0 : index
    %swap3A_29 = arith.constant 0 : index
    %swap3A_30 = vector.load %arg6[%swap3A, %swap3A_29] : memref<3x32000xf32, #tpu.memory_space<vmem>>, vector<3x32000xf32>
    tpu.vector_store %arg6[%swap3A, %swap3A_29], %add3A_28 {strides = array<i32>} : memref<3x32000xf32, #tpu.memory_space<vmem>>, vector<3x32000xf32>,
    return
  }
  func.func @transform_0(%arg0: i32) -> (i32, i32) {
    %c0_i32 = arith.constant 0 : i32
    %c0_i32_0 = arith.constant 0 : i32
    return %arg0, %c0_i32 : i32, i32
  }
  func.func @transform_1(%arg0: i32) -> (i32, i32) {
    %c0_i32 = arith.constant 0 : i32
    %c0_i32_0 = arith.constant 0 : i32
    %c0_i32_1 = arith.constant 0 : i32
    return %c0_i32, %c0_i32_0 : i32, i32
  }
  func.func @transform_2(%arg0: i32) -> (i32, i32) {
    %c0_i32 = arith.constant 0 : i32
    %c0_i32_0 = arith.constant 0 : i32
    %c0_i32_1 = arith.constant 0 : i32
    return %c0_i32, %c0_i32_0 : i32, i32
  }
  func.func @transform_3(%arg0: i32) -> (i32, i32) {
    %c0_i32 = arith.constant 0 : i32
    %c0_i32_0 = arith.constant 0 : i32
    %c0_i32_1 = arith.constant 0 : i32
    return %c0_i32, %c0_i32_0 : i32, i32
  }
  func.func @transform_4(%arg0: i32) -> (i32, i32) {
    %c0_i32 = arith.constant 0 : i32
    %c0_i32_0 = arith.constant 0 : i32
    %c0_i32_1 = arith.constant 0 : i32
    return %c0_i32, %c0_i32_0 : i32, i32
  }
  func.func @transform_5(%arg0: i32) -> (i32, i32) {
    %c0_i32 = arith.constant 0 : i32
    %c0_i32_0 = arith.constant 0 : i32
    return %c0_i32, %arg0 : i32, i32
  }
}

</mosaic_0001>

<sc_bundles>
// kernel: kernel.5.cloned.1.call-start
scs
__scs_entry_jumppad:
0x0: {  	(pc) =	sbr.rel $0x88, $3  }
0x1: {  	(tag) =	ssettag $0x0;
	lr =	simm.s32 $0x1  }
0x2: {  	[smem:$0x3F9B] =	sst lr;
	_ =	strace $0xD0000000  }
0x3: {  	_ = 	snop  }
0x4: {  	_ = 	snop  }
0x5: {  	_ = 	snop  }
0x6: {  	_ = 	snop  }
0x7: {  	_ = 	snop  }
__scs_overlays_trampoline_lowered:
0x8: {  	[smem:$0x3FAA] =	sst s0  }
0x9: {  	[smem:$0x3FAB] =	sst s1  }
0xa: {  	[smem:$0x3FAC] =	sst s2  }
0xb: {  	[smem:$0x3FAD] =	sst s3  }
0xc: {  	[smem:$0x3FAE] =	sst s4  }
0xd: {  	[smem:$0x3FAF] =	sst s5  }
0xe: {  	[smem:$0x3FB0] =	sst s6  }
0xf: {  	[smem:$0x3FB1] =	sst s7  }
0x10: {  	[smem:$0x3FB2] =	sst s8  }
0x11: {  	[smem:$0x3FB3] =	sst s9;
	s0 =	simm.s32 @!p0 $0x0  }
0x12: {  	s1 =	sld [smem:$0x3F99];
	s0 =	simm.s32 @p0 $0x1  }
0x13: {  	[smem:$0x3FB4] =	sst s0;
	s0 =	simm.s32 @!p1 $0x0  }
0x14: {  	s2 =	sld [smem:$0x3F98];
	s0 =	simm.s32 @p1 $0x1  }
0x15: {  	[smem:$0x3FB5] =	sst s0;
	s0 =	simm.s32 @!p2 $0x0  }
0x16: {  	s3 =	sld [smem:$0x3FDB];
	s0 =	simm.s32 @p2 $0x1  }
0x17: {  	s4 =	simm.s32 $0x1BF5;
	[smem:$0x3FB7] =	sst s0  }
0x18: {  	s0 =	sld [smem:$0x3F9A];
	_ =	swait.ge [sflag:s4], $0x0  }
0x19: {  	s7 =	sld [smem:$0x3F9B]  }
0x1a: {  	s8 =	sadd.s32 $0xFFFFE003, lr  }
0x1b: {  	s9 =	sadd.s32 $0xFFFFFEF7, lr;
	s5 =	simm.s32 $0xFFFFFFFF;
	p2 =	slt.u32 s8, $0xFFFFF086  }
0x1c: {  	p1 =	slt.u32 s9, $0xF7A;
	s5 =	simm.s32 @!p2 $0x0  }
0x1d: {  	s5 =	simm.s32 @p1 $0x1;
	p0 =	seq.s32 s7, s2  }
0x1e: {  	s7 =	smul.u32 @!p0 $0xF7A, s2;
	p2 =	seq.s32 @!p0 s5, $0x0  }
0x1f: {  	s9 =	smul.u32 $0xF7A, s1;
	s8 =	simm.s32 @!p0 $0x1BF5;
	p2 =	por !p2, p0  }
0x20: {  	[sflag:s8] =	ssyncset.s32 @!p0 $0xFFFFF086;
	s6 =	sadd.s32 @!p0 s3, s7;
	s7 =	simm.s32 @!p0 $0x108  }
0x21: {  	s3 =	sadd.s32 s3, s9;
	s6 =	sadd.s32 @!p0 $0x88, s6;
	s7 =	simm.s32 @p2 $0x1082  }
0x22: {  	[simem:s7], [sflag:s8] =	dma.local @!p0 [hbm:s6], $0xF7A  }
0x23: {  	s9 =	sor.u32 $0xD0000000, s2;
	s6 =	simm.s32 $0x108;
	_ =	swait.ge @!p0 [sflag:s8], $0x0  }
0x24: {  	s3 =	sadd.s32 $0x88, s3;
	s6 =	simm.s32 @!p1 $0x1082;
	[sflag:s4] =	ssyncset.s32 $0xFFFFF086  }
0x25: {  	[simem:s6], [sflag:s4] =	dma.local [hbm:s3], $0xF7A  }
0x26: {  	[smem:$0x3F9B] =	sst s1;
	(tag) =	ssettag s2;
	_ =	strace s9  }
0x27: {  	s1 =	sld [smem:$0x3FAB]  }
0x28: {  	s2 =	sld [smem:$0x3FAC]  }
0x29: {  	s4 =	sld [smem:$0x3FAE]  }
0x2a: {  	p0 =	seq.s32 s5, $0x0;
	s5 =	sld [smem:$0x3FAF]  }
0x2b: {  	s6 =	sld [smem:$0x3FB0]  }
0x2c: {  	s7 =	sld [smem:$0x3FB1]  }
0x2d: {  	s3 =	simm.s32 $0x108;
	s8 =	sld [smem:$0x3FB2]  }
0x2e: {  	s3 =	simm.s32 @!p0 $0x1082;
	s9 =	sld [smem:$0x3FB3]  }
0x2f: {  	lr =	sadd.s32 s0, s3;
	s0 =	sld [smem:$0x3FAA]  }
0x30: {  	s3 =	sld [smem:$0x3FAD]  }
0x31: {  	[smem:$0x3FB6] =	sst s10  }
0x32: {  	s10 =	sld [smem:$0x3FB4];
	_ =	sdelay $0x3  }
0x33: {  	p0 =	seq.s32 s10, $0x1;
	s10 =	sld [smem:$0x3FB6];
	_ =	sdelay $0x3  }
0x34: {  	[smem:$0x3FB6] =	sst s10  }
0x35: {  	s10 =	sld [smem:$0x3FB5];
	_ =	sdelay $0x3  }
0x36: {  	p1 =	seq.s32 s10, $0x1;
	s10 =	sld [smem:$0x3FB6];
	_ =	sdelay $0x3  }
0x37: {  	[smem:$0x3FB6] =	sst s10  }
0x38: {  	s10 =	sld [smem:$0x3FB7]  }
0x39: {  	_ = 	snop;
	(pc) =	sbr.ind lr, $3  }
0x3a: {  	_ = 	snop  }
0x3b: {  	_ = 	snop  }
0x3c: {  	p2 =	seq.s32 s10, $0x1;
	s10 =	sld [smem:$0x3FB6]  }
0x3d: {  	_ =	shalt  }
0x3e: {  	_ =	shalt  }
0x3f: {  	_ =	shalt  }
0x40: {  	_ =	shalt  }
0x41: {  	_ =	shalt  }
0x42: {  	_ =	shalt  }
0x43: {  	_ =	shalt  }
0x44: {  	_ =	shalt  }
0x45: {  	_ =	shalt  }
0x46: {  	_ =	shalt  }
0x47: {  	_ =	shalt  }
0x48: {  	_ =	shalt  }
0x49: {  	_ =	shalt  }
0x4a: {  	_ =	shalt  }
0x4b: {  	_ =	shalt  }
0x4c: {  	_ =	shalt  }
0x4d: {  	_ =	shalt  }
0x4e: {  	_ =	shalt  }
0x4f: {  	_ =	shalt  }
0x50: {  	_ =	shalt  }
0x51: {  	_ =	shalt  }
0x52: {  	_ =	shalt  }
0x53: {  	_ =	shalt  }
0x54: {  	_ =	shalt  }
0x55: {  	_ =	shalt  }
0x56: {  	_ =	shalt  }
0x57: {  	_ =	shalt  }
0x58: {  	_ =	shalt  }
0x59: {  	_ =	shalt  }
0x5a: {  	_ =	shalt  }
0x5b: {  	_ =	shalt  }
0x5c: {  	_ =	shalt  }
0x5d: {  	_ =	shalt  }
0x5e: {  	_ =	shalt  }
0x5f: {  	_ =	shalt  }
0x60: {  	_ =	shalt  }
0x61: {  	_ =	shalt  }
0x62: {  	_ =	shalt  }
0x63: {  	_ =	shalt  }
0x64: {  	_ =	shalt  }
0x65: {  	_ =	shalt  }
0x66: {  	_ =	shalt  }
0x67: {  	_ =	shalt  }
0x68: {  	_ =	shalt  }
0x69: {  	_ =	shalt  }
0x6a: {  	_ =	shalt  }
0x6b: {  	_ =	shalt  }
0x6c: {  	_ =	shalt  }
0x6d: {  	_ =	shalt  }
0x6e: {  	_ =	shalt  }
0x6f: {  	_ =	shalt  }
0x70: {  	_ =	shalt  }
0x71: {  	_ =	shalt  }
0x72: {  	_ =	shalt  }
0x73: {  	_ =	shalt  }
0x74: {  	_ =	shalt  }
0x75: {  	_ =	shalt  }
0x76: {  	_ =	shalt  }
0x77: {  	_ =	shalt  }
0x78: {  	_ =	shalt  }
0x79: {  	_ =	shalt  }
0x7a: {  	_ =	shalt  }
0x7b: {  	_ =	shalt  }
0x7c: {  	_ =	shalt  }
0x7d: {  	_ =	shalt  }
0x7e: {  	_ =	shalt  }
0x7f: {  	_ =	shalt  }
0x80: {  	_ =	shalt  }
0x81: {  	_ =	shalt  }
0x82: {  	_ =	shalt  }
0x83: {  	_ =	shalt  }
0x84: {  	_ =	shalt  }
0x85: {  	_ =	shalt  }
0x86: {  	_ =	shalt  }
0x87: {  	_ =	shalt  }
.Lfunc_end0:
.L_simem_size_0:
called_computation_lowered:
.L_overlay_start_0:
0x88: {  	s2 =	sld [smem:$0x3FD9]  }
0x89: {  	s3 =	sld [smem:$0x3FFE];
	_ =	sdelay $0x1  }
0x8a: {  	s1 =	srdreg.scid  }
0x8b: {  	s0 =	sand.u32 $0x1, s1  }
0x8c: {  	s17 =	sshll.u32 s0, $0xA;
	s2 =	sadd.s32 s3, s2  }
0x8d: {  	s2 =	sadd.s32 s2, s17  }
0x8e: {  	[smem:$0x3FC2] =	sst s2  }
0x8f: {  	_ = 	snop  }
0x90: {  	s2 =	sld [smem:$0x3FC8];
	(tm) =	ssettm $0x1  }
0x91: {  	s18 =	sld [smem:$0x3FFB];
	_ =	sdelay $0x3  }
0x92: {  	_ =	strace s18  }
0x93: {  	s3 =	sld [smem:$0x3FFC];
	_ =	sdelay $0x3  }
0x94: {  	_ =	strace s3  }
0x95: {  	s3 =	sld [smem:$0x3FFD];
	_ =	sdelay $0x3  }
0x96: {  	_ =	strace s3  }
0x97: {  	_ =	strace $0x8FFFFFFF  }
0x98: {  	s19 =	sld [smem:$0x3FDB];
	_ =	sdelay $0x1  }
0x99: {  	s4 =	simm.s32 $_scs_section_size  }
0x9a: {  	s5 =	simm.s32 $_size__tile_overlayer_lowered;
	s6 =	simm.s32 $_tile_overlayer_lowered  }
0x9b: {  	s22 =	simm.s32 $0x1BFF;
	s21 =	sshll.u32 s6, $0x1;
	s3 =	sadd.s32 s4, s19  }
0x9c: {  	s7 =	simm.s32 $0x0;
	s20 =	sshll.u32 s5, $0x1;
	s5 =	sadd.s32 s21, s3  }
0x9d: {  	[timem:s7], [sflag:s22] =	dma.local [hbm:s5], s20  }
0x9e: {  	_ =	swait.ge [sflag:s22], s20  }
0x9f: {  	s4 =	ssub.s32 $0x0, s20;
	[sflag:s22] =	ssyncset.done $0x0  }
0xa0: {  	[sflag:s22] =	ssyncadd.s32 s4;
	_ =	sdelay $0x1  }
0xa1: {  	s23 =	simm.s32 $0x1B8B  }
0xa2: {  	_ =	swait.ge [sflag:s23], $0x1  }
0xa3: {  	[sflag:s23] =	ssyncset.done $0x0  }
0xa4: {  	s25 =	simm.s32 $0x1B8E;
	s24 =	sld [smem:$0x3FFE];
	[sflag:s23] =	ssyncadd.s32 $0xFFFFFFFF  }
0xa5: {  	s26 =	simm.s32 $execute0_lowered;
	[smem:$0x3FD2] =	sst s25  }
0xa6: {  	s5 =	sshll.u32 s26, $0x1;
	_ =	strace $0x80000046;
	[dreg:$0x1] =	wrdreg $0xFFFFFFFF  }
0xa7: {  	s28 =	simm.s32 $_size_execute0_lowered;
	s3 =	sadd.s32 s3, s5;
	[dreg:$0x0] =	wrdreg $0x0  }
0xa8: {  	s5 =	sshll.u32 s28, $0x1;
	[dreg:$0x2] =	wrdreg s3  }
0xa9: {  	[dreg:$0x3] =	wrdreg s5  }
0xaa: {  	[dreg:$0x4] =	wrdreg $0xC0  }
0xab: {  	_ =	task [dreg:s7], $0x5FFFF  }
0xac: {  	[dreg:$0x1] =	wrdreg $0xFFFFFFFF  }
0xad: {  	[dreg:$0x0] =	wrdreg $0x60  }
0xae: {  	[dreg:$0x2] =	wrdreg s24  }
0xaf: {  	[dreg:$0x3] =	wrdreg s2  }
0xb0: {  	[dreg:$0x4] =	wrdreg $0x9  }
0xb1: {  	_ =	task.clear_ibuf [dreg:s7], $0x5FFFF;
	_ =	strace $0x90000046  }
0xb2: {  	s29 =	simm.s32 $0x9;
	_ =	strace $0x80000048  }
0xb3: {  	_ =	swait.ge [sflag:s29], $0x1  }
0xb4: {  	[sflag:s29] =	ssyncadd.s32 $0xFFFFFFFF  }
0xb5: {  	_ =	strace $0x90000048  }
0xb6: {  	_ =	sfence  }
0xb7: {  	s30 =	sld [smem:$0x0];
	_ =	sdelay $0x2  }
0xb8: {  	s31 =	sshll.u32 s1, $0xD;
	s1 =	sshrl.u32 s1, $0x2  }
0xb9: {  	s3 =	sand.u32 $0x4000, s31;
	s1 =	sadd.s32 s1, s30  }
0xba: {  	s0 =	sor.u32 s3, s0;
	s1 =	sshll.u32 s1, $0x11  }
0xbb: {  	s0 =	sor.u32 s1, s0  }
0xbc: {  	s0 =	sadd.s32 $0x8F2B, s0  }
0xbd: {  	[sflag:s0] =	ssyncadd.remote.s32 $0x1  }
0xbe: {  	_ =	sfence.sel $0xFFFF  }
0xbf: {  	[dreg:$0x0] =	wrdreg $0xFFFFFFFF;
	(pc) =	sbr.abs _section_cstart, $3  }
0xc0: {  	[dreg:$0x1] =	wrdreg $0xFFFFFFFF  }
0xc1: {  	_ =	task.clear_ibuf [dreg:s7], $0x2FFFF;
	_ =	strace $0x9FFFFFFF  }
0xc2: {  	(tm) =	ssettm $0x7FFFFFFF  }
0xc3: {  	_ =	shalt  }
tec
execute0_lowered:
.L_overlay_start_1:
0x0: {  	(tag) =	ssettag $0x1  }
0x1: {  	s3 =	rddreg [dreg:$0x0]  }
0x2: {  	s1 =	srdreg.scid;
	s0 =	stileid.u32  }
0x3: {  	s4 =	rddreg [dreg:$0x1];
	s10 =	simm.s32 $0x2710;
	s11 =	simm.s32 $0x4E20  }
0x4: {  	s12 =	simm.s32 $0x1;
	s13 =	simm.s32 $0x2;
	s14 =	simm.s32 $0x3  }
0x5: {  	s15 =	simm.s32 $0x4;
	s16 =	simm.s32 $0x80;
	s17 =	simm.s32 $0x400  }
0x6: {  	s18 =	simm.s32 $0x9D00;
	s19 =	simm.s32 $0x5;
	s20 =	simm.s32 $0x0  }
0x7: {  	s5 =	sand.u32 $0x1, s1;
	s2 =	sshll.u32 s0, $0x1;
	s1 =	rddreg [dreg:$0x2]  }
0x8: {  	s7 =	sshrl.u32 s0, $0x2;
	s6 =	sor.u32 s5, s2;
	s2 =	simm.s32 $0x0  }
0x9: {  	s7 =	smul.u32 $0xC000, s7;
	s5 =	ssub.s32 $0x2, s5;
	s8 =	sshll.u32 s6, $0x7  }
0xa: {  	[smem:$0x7FF] =	sst s2;
	s6 =	smul.u32 $0x2710, s6;
	s8 =	sand.u32 $0x380, s8  }
0xb: {  	s31 =	sshrl.u32 s5, $0x1;
	_ =	strace $0x80000047;
	s7 =	sor.u32 s7, s8  }
0xc: {  	s6 =	sshrl.u32 s6, $0x3;
	s8 =	ssub.s32 s5, s31;
	s7 =	sshrl.u32 s7, $0x3  }
0xd: {  	s9 =	sadd.s32 s6, s3;
	s8 =	smax.u32 s8, $0x1;
	s7 =	sadd.s32 s7, s3  }
0xe: {  	s3 =	sadd.s32 s4, s6;
	s4 =	sadd.s32 $0x600, s9;
	s5 =	sadd.s32 $0xA240, s9  }
0xf: {  	v0 =	vimm.f32 $0.0e+00;
	s6 =	sadd.s32 $0x13E80, s9;
	s9 =	simm.s32 $0x7580;
	s7 =	sadd.s32 $0x1DC00, s7  }
.LBB2_1:
0x10: {  	[tilespmem:s9], [sflag:$0x1] =	stream.linear.gather [hbm4b:s3+s2], $0x2710, $0x38;
	[tilespmem:$0xB500] =	vst v63  }
0x11: {  	_ = 	snop  }
0x12: {  	[tilespmem:s2], [sflag:$0x2] =	stream.linear.gather [hbm4b:s4+s2], $0x2710, $0x38;
	[tilespmem:$0xB500] =	vst v63  }
0x13: {  	_ = 	snop  }
0x14: {  	[tilespmem:s10], [sflag:$0x3] =	stream.linear.gather [hbm4b:s5+s2], $0x2710, $0x38;
	[tilespmem:$0xB500] =	vst v63  }
0x15: {  	s21 =	simm.s32 $0x9D40  }
0x16: {  	[tilespmem:s11], [sflag:$0x4] =	stream.linear.gather [hbm4b:s6+s2], $0x2710, $0x38;
	[tilespmem:$0xB500] =	vst v63  }
0x17: {  	[tilespmem:s21+$0xFFFFFFC0] =	vst v0  }
0x18: {  	[tilespmem:s21+$0x30] =	vst v0  }
0x19: {  	[tilespmem:s21+$0x20] =	vst v0  }
0x1a: {  	[tilespmem:s21+$0x10] =	vst v0  }
0x1b: {  	[tilespmem:s21+$0x0] =	vst v0  }
0x1c: {  	[tilespmem:s21+$0xFFFFFFF0] =	vst v0  }
0x1d: {  	s22 =	simm.s32 $0x0;
	[tilespmem:s21+$0xFFFFFFE0] =	vst v0  }
.LBB2_2:
0x1e: {  	s22 =	sadd.s32 $0x8, s22;
	[tilespmem:s21+$0xFFFFFFD0] =	vst v0;
	s21 =	sadd.s32 $0x80, s21  }
0x1f: {  	[tilespmem:s21+$0xFFFFFFC0] =	vst v0;
	p0 =	slt.u32 s22, $0x178  }
0x20: {  	[tilespmem:s21+$0x30] =	vst v0  }
.Ltmp0:
0x21: {  	[tilespmem:s21+$0x20] =	vst v0;
	(pc) =	sbr.rel @p0 .LBB2_2-.Ltmp0, $4  }
0x22: {  	[tilespmem:s21+$0x10] =	vst v0  }
0x23: {  	[tilespmem:s21+$0x0] =	vst v0  }
0x24: {  	[tilespmem:s21+$0xFFFFFFF0] =	vst v0  }
0x25: {  	[tilespmem:s21+$0xFFFFFFE0] =	vst v0  }
0x26: {  	[tilespmem:s21+$0xFFFFFFD0] =	vst v0  }
0x27: {  	_ =	swait.ge [sflag:s12], $0x2710  }
0x28: {  	[sflag:s12] =	ssyncset.done $0x0  }
0x29: {  	[sflag:s12] =	ssyncadd.s32 $0xFFFFD8F0  }
0x2a: {  	_ =	swait.ge [sflag:s13], $0x2710  }
0x2b: {  	[sflag:s13] =	ssyncset.done $0x0  }
0x2c: {  	[sflag:s13] =	ssyncadd.s32 $0xFFFFD8F0  }
0x2d: {  	_ =	swait.ge [sflag:s14], $0x2710  }
0x2e: {  	[sflag:s14] =	ssyncset.done $0x0  }
0x2f: {  	[sflag:s14] =	ssyncadd.s32 $0xFFFFD8F0  }
0x30: {  	_ =	swait.ge [sflag:s15], $0x2710  }
0x31: {  	s21 =	simm.s32 $0xFFFFFFFC;
	[sflag:s15] =	ssyncset.done $0x0  }
0x32: {  	s22 =	simm.s32 $0x0;
	s23 =	simm.s32 $0x75A0;
	[sflag:s15] =	ssyncadd.s32 $0xFFFFD8F0  }
.LBB2_4:
0x33: {  	v1 =	vld [tilespmem:s23+$0xFFFFFFE0];
	_ =	sdelay $0x4  }
0x34: {  	(v2sf) =	vpush v1, $0x0  }
0x35: {  	(v2sf) =	vpush v1, $0xF;
	_ =	sdelay $0xa  }
0x36: {  	v2 =	vld [tilespmem:s22+$0x0];
	_ =	sdelay $0x2  }
0x37: {  	v3 =	vld [tilespmem:s22+$0x2710];
	s24 =	spop (v2sf)  }
0x38: {  	s25 =	spop (v2sf)  }
0x39: {  	v4 =	vld [tilespmem:s22+$0x4E20];
	(xrf2) =	vadd.scan.msk.f32 $0xffff, v2;
	p0 =	sne.s32 s24, s25  }
0x3a: {  	v2 =	vld @p0 [tilespmem:s23+$0xFFFFFFE1];
	_ =	sdelay $0x1  }
0x3b: {  	(xrf2) =	vadd.scan.msk.f32 $0xffff, v3;
	_ =	sdelay $0x1  }
0x3c: {  	(xrf2) =	vadd.scan.msk.f32 $0xffff, v4  }
0x3d: {  	vm1 =	vcmask @p0 $0x3F3C;
	vm0 =	vne.s32 @p0 v1, v2  }
0x3e: {  	vm2 =	vmmov @p0 $0x7fff;
	v1 =	vmul.u32 $0x3, v1;
	vm1 =	vmor @p0 vm0, vm1  }
0x3f: {  	v2 =	vmul.u32 @p0 $0x3, v2;
	vm0 =	vmand @p0 vm0, vm2;
	_ =	sdelay $0x1  }
0x40: {  	v4, _, _ =	vpop (xrf2);
	v3 =	vadd.s32 @p0 $0x1, v1  }
0x41: {  	v6 =	vsub.f32 @p0 $0.0e+00, v4;
	v5 =	vadd.s32 @p0 $0x1, v2  }
0x42: {  	s24 =	simm.s32 @p0 $0x9D00;
	v7 =	vadd.s32 @p0 $0x2, v1  }
0x43: {  	v8, _, _ =	vpop (xrf2);
	vm2 =	vcmask @!p0 $0x3F3C;
	v9 =	vadd.s32 @p0 $0x2, v2;
	[tilespmem:v1+s24+$0x0] =	vst.idx.add.f32.msk @p0 vm1, v4  }
0x44: {  	[tilespmem:v2+s24+$0x0] =	vst.idx.add.f32.msk @p0 vm0, v6;
	v2 =	vsub.f32 @p0 $0.0e+00, v8  }
0x45: {  	v6, _, _ =	vpop (xrf2);
	[tilespmem:v3+s24+$0x0] =	vst.idx.add.f32.msk @p0 vm1, v8;
	v3 =	vadd.s32 @!p0 $0x1, v1  }
0x46: {  	[tilespmem:v5+s24+$0x0] =	vst.idx.add.f32.msk @p0 vm0, v2;
	v2 =	vsub.f32 @p0 $0.0e+00, v6;
	v5 =	vadd.s32 @!p0 $0x2, v1  }
0x47: {  	[tilespmem:v7+s24+$0x0] =	vst.idx.add.f32.msk @p0 vm1, v6  }
0x48: {  	[tilespmem:v9+s24+$0x0] =	vst.idx.add.f32.msk @p0 vm0, v2;
	s24 =	simm.s32 @!p0 $0x9D00  }
0x49: {  	[tilespmem:v1+s24+$0x0] =	vst.idx.add.f32.msk @!p0 vm2, v4  }
0x4a: {  	[tilespmem:v3+s24+$0x0] =	vst.idx.add.f32.msk @!p0 vm2, v8  }
0x4b: {  	[tilespmem:v5+s24+$0x0] =	vst.idx.add.f32.msk @!p0 vm2, v6  }
0x4c: {  	v1 =	vld [tilespmem:s23+$0xFFFFFFF0];
	_ =	sdelay $0x4  }
0x4d: {  	(v2sf) =	vpush v1, $0x0  }
0x4e: {  	(v2sf) =	vpush v1, $0xF;
	_ =	sdelay $0xa  }
0x4f: {  	v2 =	vld [tilespmem:s22+$0x10];
	_ =	sdelay $0x2  }
0x50: {  	v3 =	vld [tilespmem:s22+$0x2720];
	s25 =	spop (v2sf)  }
0x51: {  	s26 =	spop (v2sf)  }
0x52: {  	v4 =	vld [tilespmem:s22+$0x4E30];
	(xrf2) =	vadd.scan.msk.f32 $0xffff, v2;
	p0 =	sne.s32 s25, s26  }
0x53: {  	v2 =	vld @p0 [tilespmem:s23+$0xFFFFFFF1];
	_ =	sdelay $0x1  }
0x54: {  	(xrf2) =	vadd.scan.msk.f32 $0xffff, v3;
	_ =	sdelay $0x1  }
0x55: {  	(xrf2) =	vadd.scan.msk.f32 $0xffff, v4  }
0x56: {  	vm1 =	vcmask @p0 $0x3F3C;
	vm0 =	vne.s32 @p0 v1, v2  }
0x57: {  	vm2 =	vmmov @p0 $0x7fff;
	v1 =	vmul.u32 $0x3, v1;
	vm1 =	vmor @p0 vm0, vm1  }
0x58: {  	v2 =	vmul.u32 @p0 $0x3, v2;
	vm0 =	vmand @p0 vm0, vm2;
	_ =	sdelay $0x1  }
0x59: {  	v4, _, _ =	vpop (xrf2);
	v3 =	vadd.s32 @p0 $0x1, v1  }
0x5a: {  	v6 =	vsub.f32 @p0 $0.0e+00, v4;
	v5 =	vadd.s32 @p0 $0x1, v2  }
0x5b: {  	s24 =	simm.s32 @p0 $0x9D00;
	v7 =	vadd.s32 @p0 $0x2, v1  }
0x5c: {  	v8, _, _ =	vpop (xrf2);
	vm2 =	vcmask @!p0 $0x3F3C;
	v9 =	vadd.s32 @p0 $0x2, v2;
	[tilespmem:v1+s24+$0x0] =	vst.idx.add.f32.msk @p0 vm1, v4  }
0x5d: {  	[tilespmem:v2+s24+$0x0] =	vst.idx.add.f32.msk @p0 vm0, v6;
	v2 =	vsub.f32 @p0 $0.0e+00, v8  }
0x5e: {  	v6, _, _ =	vpop (xrf2);
	[tilespmem:v3+s24+$0x0] =	vst.idx.add.f32.msk @p0 vm1, v8;
	v3 =	vadd.s32 @!p0 $0x1, v1  }
0x5f: {  	[tilespmem:v5+s24+$0x0] =	vst.idx.add.f32.msk @p0 vm0, v2;
	v2 =	vsub.f32 @p0 $0.0e+00, v6;
	v5 =	vadd.s32 @!p0 $0x2, v1  }
0x60: {  	[tilespmem:v7+s24+$0x0] =	vst.idx.add.f32.msk @p0 vm1, v6  }
0x61: {  	[tilespmem:v9+s24+$0x0] =	vst.idx.add.f32.msk @p0 vm0, v2;
	s24 =	simm.s32 @!p0 $0x9D00  }
0x62: {  	[tilespmem:v1+s24+$0x0] =	vst.idx.add.f32.msk @!p0 vm2, v4  }
0x63: {  	[tilespmem:v3+s24+$0x0] =	vst.idx.add.f32.msk @!p0 vm2, v8  }
0x64: {  	[tilespmem:v5+s24+$0x0] =	vst.idx.add.f32.msk @!p0 vm2, v6  }
0x65: {  	v1 =	vld [tilespmem:s23+$0x0];
	_ =	sdelay $0x4  }
0x66: {  	(v2sf) =	vpush v1, $0x0  }
0x67: {  	(v2sf) =	vpush v1, $0xF;
	_ =	sdelay $0xa  }
0x68: {  	v2 =	vld [tilespmem:s22+$0x20];
	_ =	sdelay $0x2  }
0x69: {  	v3 =	vld [tilespmem:s22+$0x2730];
	s28 =	spop (v2sf)  }
0x6a: {  	s29 =	spop (v2sf)  }
0x6b: {  	v4 =	vld [tilespmem:s22+$0x4E40];
	(xrf2) =	vadd.scan.msk.f32 $0xffff, v2;
	p0 =	sne.s32 s28, s29  }
0x6c: {  	v2 =	vld @p0 [tilespmem:s23+$0x1];
	_ =	sdelay $0x1  }
0x6d: {  	(xrf2) =	vadd.scan.msk.f32 $0xffff, v3;
	_ =	sdelay $0x1  }
0x6e: {  	(xrf2) =	vadd.scan.msk.f32 $0xffff, v4  }
0x6f: {  	vm1 =	vcmask @p0 $0x3F3C;
	vm0 =	vne.s32 @p0 v1, v2  }
0x70: {  	vm2 =	vmmov @p0 $0x7fff;
	v1 =	vmul.u32 $0x3, v1;
	vm1 =	vmor @p0 vm0, vm1  }
0x71: {  	v2 =	vmul.u32 @p0 $0x3, v2;
	vm0 =	vmand @p0 vm0, vm2;
	_ =	sdelay $0x1  }
0x72: {  	v4, _, _ =	vpop (xrf2);
	v3 =	vadd.s32 @p0 $0x1, v1  }
0x73: {  	v6 =	vsub.f32 @p0 $0.0e+00, v4;
	v5 =	vadd.s32 @p0 $0x1, v2  }
0x74: {  	s24 =	simm.s32 @p0 $0x9D00;
	v7 =	vadd.s32 @p0 $0x2, v1  }
0x75: {  	v8, _, _ =	vpop (xrf2);
	vm2 =	vcmask @!p0 $0x3F3C;
	v9 =	vadd.s32 @p0 $0x2, v2;
	[tilespmem:v1+s24+$0x0] =	vst.idx.add.f32.msk @p0 vm1, v4  }
0x76: {  	[tilespmem:v2+s24+$0x0] =	vst.idx.add.f32.msk @p0 vm0, v6;
	v2 =	vsub.f32 @p0 $0.0e+00, v8  }
0x77: {  	v6, _, _ =	vpop (xrf2);
	[tilespmem:v3+s24+$0x0] =	vst.idx.add.f32.msk @p0 vm1, v8;
	v3 =	vadd.s32 @!p0 $0x1, v1  }
0x78: {  	[tilespmem:v5+s24+$0x0] =	vst.idx.add.f32.msk @p0 vm0, v2;
	v2 =	vsub.f32 @p0 $0.0e+00, v6;
	v5 =	vadd.s32 @!p0 $0x2, v1  }
0x79: {  	[tilespmem:v7+s24+$0x0] =	vst.idx.add.f32.msk @p0 vm1, v6  }
0x7a: {  	[tilespmem:v9+s24+$0x0] =	vst.idx.add.f32.msk @p0 vm0, v2;
	s24 =	simm.s32 @!p0 $0x9D00  }
0x7b: {  	[tilespmem:v1+s24+$0x0] =	vst.idx.add.f32.msk @!p0 vm2, v4  }
0x7c: {  	[tilespmem:v3+s24+$0x0] =	vst.idx.add.f32.msk @!p0 vm2, v8  }
0x7d: {  	[tilespmem:v5+s24+$0x0] =	vst.idx.add.f32.msk @!p0 vm2, v6  }
0x7e: {  	v1 =	vld [tilespmem:s23+$0x10];
	_ =	sdelay $0x4  }
0x7f: {  	(v2sf) =	vpush v1, $0x0  }
0x80: {  	(v2sf) =	vpush v1, $0xF;
	_ =	sdelay $0xa  }
0x81: {  	v2 =	vld [tilespmem:s22+$0x30];
	_ =	sdelay $0x2  }
0x82: {  	v3 =	vld [tilespmem:s22+$0x2740];
	s30 =	spop (v2sf)  }
0x83: {  	s31 =	spop (v2sf)  }
0x84: {  	v4 =	vld [tilespmem:s22+$0x4E50];
	(xrf2) =	vadd.scan.msk.f32 $0xffff, v2;
	p0 =	sne.s32 s30, s31  }
0x85: {  	v2 =	vld @p0 [tilespmem:s23+$0x11];
	_ =	sdelay $0x1  }
0x86: {  	(xrf2) =	vadd.scan.msk.f32 $0xffff, v3;
	_ =	sdelay $0x1  }
0x87: {  	(xrf2) =	vadd.scan.msk.f32 $0xffff, v4  }
0x88: {  	vm1 =	vcmask @p0 $0x3F3C;
	vm0 =	vne.s32 @p0 v1, v2  }
0x89: {  	vm2 =	vmmov @p0 $0x7fff;
	v1 =	vmul.u32 $0x3, v1;
	vm1 =	vmor @p0 vm0, vm1  }
0x8a: {  	v2 =	vmul.u32 @p0 $0x3, v2;
	vm0 =	vmand @p0 vm0, vm2;
	_ =	sdelay $0x1  }
0x8b: {  	v4, _, _ =	vpop (xrf2);
	v3 =	vadd.s32 @p0 $0x1, v1  }
0x8c: {  	v6 =	vsub.f32 @p0 $0.0e+00, v4;
	v5 =	vadd.s32 @p0 $0x1, v2  }
0x8d: {  	s24 =	simm.s32 @p0 $0x9D00;
	v7 =	vadd.s32 @p0 $0x2, v1  }
0x8e: {  	v8, _, _ =	vpop (xrf2);
	vm2 =	vcmask @!p0 $0x3F3C;
	v9 =	vadd.s32 @p0 $0x2, v2;
	[tilespmem:v1+s24+$0x0] =	vst.idx.add.f32.msk @p0 vm1, v4  }
0x8f: {  	[tilespmem:v2+s24+$0x0] =	vst.idx.add.f32.msk @p0 vm0, v6;
	v2 =	vsub.f32 @p0 $0.0e+00, v8  }
0x90: {  	s21 =	sadd.s32 $0x4, s21;
	v6, _, _ =	vpop (xrf2);
	[tilespmem:v3+s24+$0x0] =	vst.idx.add.f32.msk @p0 vm1, v8;
	v3 =	vadd.s32 @!p0 $0x1, v1  }
0x91: {  	p1 =	slt.u32 s21, $0x26C;
	[tilespmem:v5+s24+$0x0] =	vst.idx.add.f32.msk @p0 vm0, v2;
	v2 =	vsub.f32 @p0 $0.0e+00, v6;
	v5 =	vadd.s32 @!p0 $0x2, v1  }
.Ltmp1:
0x92: {  	[tilespmem:v7+s24+$0x0] =	vst.idx.add.f32.msk @p0 vm1, v6;
	(pc) =	sbr.rel @p1 .LBB2_4-.Ltmp1, $4  }
0x93: {  	[tilespmem:v9+s24+$0x0] =	vst.idx.add.f32.msk @p0 vm0, v2;
	s24 =	simm.s32 @!p0 $0x9D00  }
0x94: {  	[tilespmem:v1+s24+$0x0] =	vst.idx.add.f32.msk @!p0 vm2, v4  }
0x95: {  	[tilespmem:v3+s24+$0x0] =	vst.idx.add.f32.msk @!p0 vm2, v8  }
0x96: {  	s22 =	sadd.s32 $0x40, s22;
	s23 =	sadd.s32 $0x40, s23;
	[tilespmem:v5+s24+$0x0] =	vst.idx.add.f32.msk @!p0 vm2, v6  }
0x97: {  	v1 =	vld [tilespmem:$0x9C80];
	_ =	sdelay $0x4  }
0x98: {  	(v2sf) =	vpush v1, $0x0  }
0x99: {  	(v2sf) =	vpush v1, $0xF;
	_ =	sdelay $0xa  }
0x9a: {  	v2 =	vld [tilespmem:$0x2700];
	_ =	sdelay $0x2  }
0x9b: {  	v3 =	vld [tilespmem:$0x4E10];
	s21 =	spop (v2sf)  }
0x9c: {  	s22 =	spop (v2sf)  }
0x9d: {  	v4 =	vld [tilespmem:$0x7520];
	(xrf2) =	vadd.scan.msk.f32 $0xffff, v2;
	p0 =	sne.s32 s21, s22  }
0x9e: {  	v2 =	vld @p0 [tilespmem:$0x9C81];
	_ =	sdelay $0x1  }
0x9f: {  	(xrf2) =	vadd.scan.msk.f32 $0xffff, v3;
	_ =	sdelay $0x1  }
0xa0: {  	(xrf2) =	vadd.scan.msk.f32 $0xffff, v4  }
0xa1: {  	vm1 =	vcmask @p0 $0x3F3C;
	vm0 =	vne.s32 @p0 v1, v2  }
0xa2: {  	vm2 =	vmmov @p0 $0x7fff;
	v1 =	vmul.u32 $0x3, v1;
	vm1 =	vmor @p0 vm0, vm1  }
0xa3: {  	v2 =	vmul.u32 @p0 $0x3, v2;
	vm0 =	vmand @p0 vm0, vm2;
	_ =	sdelay $0x1  }
0xa4: {  	v4, _, _ =	vpop (xrf2);
	v3 =	vadd.s32 @p0 $0x1, v1  }
0xa5: {  	v6 =	vsub.f32 @p0 $0.0e+00, v4;
	v5 =	vadd.s32 @p0 $0x1, v2  }
0xa6: {  	s21 =	simm.s32 @p0 $0x9D00;
	v7 =	vadd.s32 @p0 $0x2, v1  }
0xa7: {  	v8, _, _ =	vpop (xrf2);
	vm2 =	vcmask @!p0 $0x3F3C;
	v9 =	vadd.s32 @p0 $0x2, v2;
	[tilespmem:v1+s21+$0x0] =	vst.idx.add.f32.msk @p0 vm1, v4  }
0xa8: {  	[tilespmem:v2+s21+$0x0] =	vst.idx.add.f32.msk @p0 vm0, v6;
	v2 =	vsub.f32 @p0 $0.0e+00, v8  }
0xa9: {  	v6, _, _ =	vpop (xrf2);
	[tilespmem:v3+s21+$0x0] =	vst.idx.add.f32.msk @p0 vm1, v8;
	v3 =	vadd.s32 @!p0 $0x1, v1  }
0xaa: {  	[tilespmem:v5+s21+$0x0] =	vst.idx.add.f32.msk @p0 vm0, v2;
	v2 =	vsub.f32 @p0 $0.0e+00, v6;
	v5 =	vadd.s32 @!p0 $0x2, v1  }
0xab: {  	[tilespmem:v7+s21+$0x0] =	vst.idx.add.f32.msk @p0 vm1, v6  }
0xac: {  	[tilespmem:v9+s21+$0x0] =	vst.idx.add.f32.msk @p0 vm0, v2;
	s21 =	simm.s32 @!p0 $0x9D00  }
0xad: {  	[tilespmem:v1+s21+$0x0] =	vst.idx.add.f32.msk @!p0 vm2, v4  }
0xae: {  	s20 =	sadd.s32 $0x1, s20;
	[tilespmem:v3+s21+$0x0] =	vst.idx.add.f32.msk @!p0 vm2, v8  }
0xaf: {  	[tilespmem:v5+s21+$0x0] =	vst.idx.add.f32.msk @!p0 vm2, v6;
	p0 =	sne.s32 s20, s8  }
.Ltmp2:
0xb0: {  	_ = 	snop;
	(pc) =	sbr.rel @p0 .LBB2_1-.Ltmp2, $4  }
0xb1: {  	[hbm4b:s7+s16] =	stream.strided.scatter [tilespmem:s18], [sflag:$0x5], $0x1800, s17, s16, $0x38;
	[tilespmem:$0xB500] =	vst v63  }
0xb2: {  	_ =	swait.ge [sflag:s19], $0x1800  }
0xb3: {  	[sflag:s19] =	ssyncset.done $0x0  }
0xb4: {  	[sflag:s19] =	ssyncadd.s32 $0xFFFFE800  }
0xb5: {  	_ =	sfence.sel $0x180000  }
0xb6: {  	[bflag:$0x0] =	sbarrier.arrive $0xFFFF  }
0xb7: {  	p0 =	sne.s32 s0, $0x0;
	_ =	strace $0x90000047  }
0xb8: {  	s0 =	sadd.s32 @!p0 $0x100000, s1;
	[bflag:$0x2] =	sbarrier.arrive $0xFFFF  }
0xb9: {  	[sflag:s0] =	ssyncadd.tile.s32 @!p0 $0x1;
	_ =	shalt  }
.Lfunc_end2:
_tile_overlayer_lowered:
.L_overlay_start_2:
0xba: {  	(tag) =	ssettag $0x2  }
0xbb: {  	s0 =	rddreg [dreg:$0x0];
	s2 =	stileid.u32  }
0xbc: {  	s1 =	rddreg [dreg:$0x1];
	p0 =	sne.s32 s2, $0x0  }
0xbd: {  	s3 =	rddreg [dreg:$0x2];
	[bflag:$0x3] =	sbarrier.arrive $0xFFFF;
	s2 =	simm.s32 @!p0 $0x1C05  }
0xbe: {  	[timem:s3], [sflag:s2] =	dma.local @!p0 [hbm:s0], s1  }
0xbf: {  	s0 =	simm.s32 @!p0 $0x5  }
0xc0: {  	_ =	swait.ge @!p0 [sflag:s0], s1  }
0xc1: {  	s1 =	ssub.s32 @!p0 $0x0, s1;
	[sflag:s0] =	ssyncset.done @!p0 $0x0  }
0xc2: {  	[sflag:s0] =	ssyncadd.s32 @!p0 s1  }
0xc3: {  	[bflag:$0x3] =	sbarrier.arrive $0xFFFF  }
0xc4: {  	_ =	shalt  }

</sc_bundles>
